<compile_context>
chip_gen: v7x
topology: tpu7x:2x2x1
jax: 0.10.2.dev20260603
libtpu: 0.0.44.dev20260713+nightly
codegen_flags: <defaults>
</compile_context>

<pallas_src>
import functools

import jax
import jax.numpy as jnp
from jax import lax
from jax.experimental import pallas as pl
from jax.experimental.pallas import tpu as pltpu
from jax.experimental.pallas import tpu_sc as plsc

BATCH = 4096
SEQ = 200
DIM = 64
HALF = SEQ // 2
NBUF = 4


def kernel(input_sequence, word_embedding, position_embedding):
    info = plsc.get_sparse_core_info()
    nc, ns, nl = info.num_cores, info.num_subcores, info.num_lanes
    nw = nc * ns
    rows_per_w = BATCH // nw

    idx3 = input_sequence.astype(jnp.int32).reshape(nw, 2 * rows_per_w, HALF)

    mesh = plsc.VectorSubcoreMesh(core_axis_name="c", subcore_axis_name="s")

    @functools.partial(
        pl.kernel,
        mesh=mesh,
        out_type=jax.ShapeDtypeStruct((BATCH, SEQ, 128), jnp.float32),
        scratch_types=[
            pltpu.VMEM((2 * rows_per_w, HALF), jnp.int32),
            pltpu.VMEM((SEQ, DIM), jnp.float32),
        ]
        + [pltpu.VMEM((SEQ, DIM), jnp.float32)] * NBUF
        + [pltpu.SemaphoreType.DMA] * (2 * NBUF),
        compiler_params=pltpu.CompilerParams(use_tc_tiling_on_sc=False),
    )
    def k(idx_hbm, word_hbm, pos_hbm, out_hbm, idx_all, pos_v, *bufs):
        rbs = bufs[:NBUF]
        gsems = bufs[NBUF : 2 * NBUF]
        osems = bufs[2 * NBUF :]
        c = lax.axis_index("c")
        s = lax.axis_index("s")
        wid = s * nc + c
        base_row = wid * rows_per_w

        pltpu.sync_copy(pos_hbm, pos_v)
        pltpu.sync_copy(idx_hbm.at[wid], idx_all)

        def gather_descs(t, b):
            return [
                pltpu.make_async_copy(
                    word_hbm.at[idx_all.at[2 * t + j]],
                    rbs[b].at[pl.ds(j * HALF, HALF)],
                    gsems[b],
                )
                for j in range(2)
            ]

        def out_desc(t, b):
            return pltpu.make_async_copy(
                rbs[b],
                out_hbm.at[base_row + t, :, pl.ds(0, DIM)],
                osems[b],
            )

        for p in range(NBUF - 1):
            for d in gather_descs(p, p):
                d.start()

        def quad_body(g, carry):
            for b in range(NBUF):
                t = g * NBUF + b
                for d in gather_descs(t, b):
                    d.wait()

                @plsc.parallel_loop(0, SEQ, 1, unroll=4)
                def add_body(j):
                    for kk in range(DIM // nl):
                        sl = pl.ds(kk * nl, nl)
                        plsc.addupdate(rbs[b].at[j, sl], pos_v[j, sl])

                out_desc(t, b).start()

                tb = (b + NBUF - 1) % NBUF
                tpre = t + NBUF - 1

                @pl.when(tpre < rows_per_w)
                def _():
                    @pl.when(t >= 1)
                    def _():
                        out_desc(t - 1, tb).wait()

                    for d in gather_descs(tpre, tb):
                        d.start()

            return carry

        lax.fori_loop(0, rows_per_w // NBUF, quad_body, 0)

        for b in range(NBUF):
            out_desc(0, b).wait()

    out = k(idx3, word_embedding, position_embedding)
    return jax.lax.slice(out, (0, 0, 0), (BATCH, SEQ, DIM))

# --- scband reference (transcript-rebuilt; emitter-appended) ---
"""Pipeline reference for scband-position-embedding-layer-71236327571815 (READ-ONLY COPY).

The authoritative reference and input builder live on the scoring server;
editing this copy changes nothing except your own understanding.
"""

import jax, jax.numpy as jnp
import numpy as np

VOCAB = 100000
SEQ_LEN = 200
DIM = 64
BATCH = 4096

def setup_inputs(seed: int = 0) -> dict:
    key = jax.random.key(seed)
    k1, k2, k3 = jax.random.split(key, 3)
    input_sequence = jax.random.randint(k1, (BATCH, SEQ_LEN), 0, VOCAB, dtype=jnp.int64 if jax.config.jax_enable_x64 else jnp.int32)
    word_embedding = jax.random.normal(k2, (VOCAB, DIM), dtype=jnp.float32)
    position_embedding = jax.random.normal(k3, (SEQ_LEN, DIM), dtype=jnp.float32)
    return {"input_sequence": input_sequence, "word_embedding": word_embedding, "position_embedding": position_embedding}

def reference(input_sequence, word_embedding, position_embedding):
    seq_len = input_sequence.shape[-1]
    position_indices = jnp.arange(0, seq_len)
    embeddings_positions = jnp.take(position_embedding, position_indices, axis=0)
    embeddings_tokens = jnp.take(word_embedding, input_sequence, axis=0)
    return embeddings_tokens + embeddings_positions

if __name__ == "__main__":
    import jax
    _d = setup_inputs()
    print(jax.jit(kernel)(*tuple(_d.values())))

</pallas_src>

<mosaic_0001>
#map = affine_map<(d0, d1) -> (0, 0, 0)>
#map1 = affine_map<(d0, d1) -> (0, 0)>
module attributes {stable_mosaic.version = 14 : i64} {
  func.func @k(%arg0: i32, %arg1: i32, %arg2: memref<32x256x100xi32, #tpu.memory_space<hbm>>, %arg3: memref<100000x64xf32, #tpu.memory_space<hbm>>, %arg4: memref<200x64xf32, #tpu.memory_space<hbm>>, %arg5: memref<4096x200x128xf32, #tpu.memory_space<hbm>>, %arg6: memref<256x100xi32, #tpu.memory_space<vmem>>, %arg7: memref<200x64xf32, #tpu.memory_space<vmem>>, %arg8: memref<200x64xf32, #tpu.memory_space<vmem>>, %arg9: memref<200x64xf32, #tpu.memory_space<vmem>>, %arg10: memref<200x64xf32, #tpu.memory_space<vmem>>, %arg11: memref<200x64xf32, #tpu.memory_space<vmem>>, %arg12: memref<!tpu.dma_semaphore, #tpu.memory_space<semaphore_mem>>, %arg13: memref<!tpu.dma_semaphore, #tpu.memory_space<semaphore_mem>>, %arg14: memref<!tpu.dma_semaphore, #tpu.memory_space<semaphore_mem>>, %arg15: memref<!tpu.dma_semaphore, #tpu.memory_space<semaphore_mem>>, %arg16: memref<!tpu.dma_semaphore, #tpu.memory_space<semaphore_mem>>, %arg17: memref<!tpu.dma_semaphore, #tpu.memory_space<semaphore_mem>>, %arg18: memref<!tpu.dma_semaphore, #tpu.memory_space<semaphore_mem>>, %arg19: memref<!tpu.dma_semaphore, #tpu.memory_space<semaphore_mem>>) attributes {dimension_semantics = [#tpu.dimension_semantics<core_parallel>, #tpu.dimension_semantics<subcore_parallel>], iteration_bounds = array<i64: 2, 16>, scalar_prefetch = 0 : i64, scratch_operands = 14 : i64, tpu.core_type = #tpu.core_type<sc_vector_subcore>, window_params = [{transform_indices = #map}, {transform_indices = #map1}, {transform_indices = #map1}, {transform_indices = #map}]} {
    %mul3A = arith.constant 2 : i32
    %mul3A_0 = arith.muli %arg1, %mul3A : i32
    %add3A = arith.addi %mul3A_0, %arg0 : i32
    %mul3A_1 = arith.constant 128 : i32
    %mul3A_2 = arith.muli %add3A, %mul3A_1 : i32
    "tpu.region"() ({
      %run_scoped3A = tpu.sem_alloc : memref<!tpu.dma_semaphore, #tpu.memory_space<semaphore_mem>>
      tpu.enqueue_dma source(%arg4 : memref<200x64xf32, #tpu.memory_space<hbm>>) target(%arg7 : memref<200x64xf32, #tpu.memory_space<vmem>>) target_semaphore(%run_scoped3A : memref<!tpu.dma_semaphore, #tpu.memory_space<semaphore_mem>>)
      tpu.wait_dma2 semaphore(%run_scoped3A : memref<!tpu.dma_semaphore, #tpu.memory_space<semaphore_mem>>) src(%arg4 : memref<200x64xf32, #tpu.memory_space<hbm>>) dst(%arg7 : memref<200x64xf32, #tpu.memory_space<vmem>>)
      tpu.yield
    }) : () -> ()
    "tpu.region"() ({
      %run_scoped3A = tpu.sem_alloc : memref<!tpu.dma_semaphore, #tpu.memory_space<semaphore_mem>>
      %dma_start3A_106 = arith.constant 0 : i32
      %dma_start3A_107 = arith.constant 0 : i32
      %dma_start3A_108 = tpu.memref_slice %arg2[%add3A, %dma_start3A_106, %dma_start3A_107] : memref<32x256x100xi32, #tpu.memory_space<hbm>> -> memref<1x256x100xi32, #tpu.memory_space<hbm>>
      %dma_start3A_109 = tpu.memref_squeeze %dma_start3A_108 : memref<1x256x100xi32, #tpu.memory_space<hbm>> -> memref<256x100xi32, #tpu.memory_space<hbm>>
      %dma_start3A_110 = arith.constant 0 : i32
      %dma_start3A_111 = arith.constant 0 : i32
      %dma_start3A_112 = tpu.memref_slice %arg2[%add3A, %dma_start3A_110, %dma_start3A_111] : memref<32x256x100xi32, #tpu.memory_space<hbm>> -> memref<1x256x100xi32, #tpu.memory_space<hbm>>
      %dma_start3A_113 = tpu.memref_squeeze %dma_start3A_112 : memref<1x256x100xi32, #tpu.memory_space<hbm>> -> memref<256x100xi32, #tpu.memory_space<hbm>>
      tpu.enqueue_dma source(%dma_start3A_113 : memref<256x100xi32, #tpu.memory_space<hbm>>) target(%arg6 : memref<256x100xi32, #tpu.memory_space<vmem>>) target_semaphore(%run_scoped3A : memref<!tpu.dma_semaphore, #tpu.memory_space<semaphore_mem>>)
      %dma_wait3A_114 = arith.constant 0 : i32
      %dma_wait3A_115 = arith.constant 0 : i32
      %dma_wait3A_116 = tpu.memref_slice %arg2[%add3A, %dma_wait3A_114, %dma_wait3A_115] : memref<32x256x100xi32, #tpu.memory_space<hbm>> -> memref<1x256x100xi32, #tpu.memory_space<hbm>>
      %dma_wait3A_117 = tpu.memref_squeeze %dma_wait3A_116 : memref<1x256x100xi32, #tpu.memory_space<hbm>> -> memref<256x100xi32, #tpu.memory_space<hbm>>
      %dma_wait3A_118 = arith.constant 0 : i32
      %dma_wait3A_119 = arith.constant 0 : i32
      %dma_wait3A_120 = tpu.memref_slice %arg2[%add3A, %dma_wait3A_118, %dma_wait3A_119] : memref<32x256x100xi32, #tpu.memory_space<hbm>> -> memref<1x256x100xi32, #tpu.memory_space<hbm>>
      %dma_wait3A_121 = tpu.memref_squeeze %dma_wait3A_120 : memref<1x256x100xi32, #tpu.memory_space<hbm>> -> memref<256x100xi32, #tpu.memory_space<hbm>>
      tpu.wait_dma2 semaphore(%run_scoped3A : memref<!tpu.dma_semaphore, #tpu.memory_space<semaphore_mem>>) src(%dma_wait3A_121 : memref<256x100xi32, #tpu.memory_space<hbm>>) dst(%arg6 : memref<256x100xi32, #tpu.memory_space<vmem>>)
      tpu.yield
    }) : () -> ()
    %dma_start3A = arith.constant 0 : i32
    %dma_start3A_3 = arith.constant 0 : i32
    %dma_start3A_4 = arith.constant 0 : i32
    %dma_start3A_5 = tpu.memref_slice %arg8[%dma_start3A_3, %dma_start3A_4] : memref<200x64xf32, #tpu.memory_space<vmem>> -> memref<100x64xf32, #tpu.memory_space<vmem>>
    %dma_start3A_6 = arith.constant 0 : i32
    %dma_start3A_7 = tpu.memref_slice %arg6[%dma_start3A, %dma_start3A_6] : memref<256x100xi32, #tpu.memory_space<vmem>> -> memref<1x100xi32, #tpu.memory_space<vmem>>
    %dma_start3A_8 = tpu.memref_squeeze %dma_start3A_7 : memref<1x100xi32, #tpu.memory_space<vmem>> -> memref<100xi32, #tpu.memory_space<vmem>>
    %dma_start3A_9 = arith.constant 0 : i32
    %dma_start3A_10 = arith.constant 0 : i32
    %dma_start3A_11 = tpu.memref_slice %arg3[%dma_start3A_9, %dma_start3A_10] : memref<100000x64xf32, #tpu.memory_space<hbm>> -> memref<100000x64xf32, #tpu.memory_space<hbm>>
    tpu.enqueue_indirect_dma source(%dma_start3A_11 : memref<100000x64xf32, #tpu.memory_space<hbm>>) target(%dma_start3A_5 : memref<100x64xf32, #tpu.memory_space<vmem>>) offsets(%dma_start3A_8 : memref<100xi32, #tpu.memory_space<vmem>>) semaphore(%arg12 : memref<!tpu.dma_semaphore, #tpu.memory_space<semaphore_mem>>)
    %dma_start3A_12 = arith.constant 1 : i32
    %dma_start3A_13 = arith.constant 100 : i32
    %dma_start3A_14 = arith.constant 0 : i32
    %dma_start3A_15 = tpu.memref_slice %arg8[%dma_start3A_13, %dma_start3A_14] : memref<200x64xf32, #tpu.memory_space<vmem>> -> memref<100x64xf32, #tpu.memory_space<vmem>>
    %dma_start3A_16 = arith.constant 0 : i32
    %dma_start3A_17 = tpu.memref_slice %arg6[%dma_start3A_12, %dma_start3A_16] : memref<256x100xi32, #tpu.memory_space<vmem>> -> memref<1x100xi32, #tpu.memory_space<vmem>>
    %dma_start3A_18 = tpu.memref_squeeze %dma_start3A_17 : memref<1x100xi32, #tpu.memory_space<vmem>> -> memref<100xi32, #tpu.memory_space<vmem>>
    %dma_start3A_19 = arith.constant 0 : i32
    %dma_start3A_20 = arith.constant 0 : i32
    %dma_start3A_21 = tpu.memref_slice %arg3[%dma_start3A_19, %dma_start3A_20] : memref<100000x64xf32, #tpu.memory_space<hbm>> -> memref<100000x64xf32, #tpu.memory_space<hbm>>
    tpu.enqueue_indirect_dma source(%dma_start3A_21 : memref<100000x64xf32, #tpu.memory_space<hbm>>) target(%dma_start3A_15 : memref<100x64xf32, #tpu.memory_space<vmem>>) offsets(%dma_start3A_18 : memref<100xi32, #tpu.memory_space<vmem>>) semaphore(%arg12 : memref<!tpu.dma_semaphore, #tpu.memory_space<semaphore_mem>>)
    %dma_start3A_22 = arith.constant 2 : i32
    %dma_start3A_23 = arith.constant 0 : i32
    %dma_start3A_24 = arith.constant 0 : i32
    %dma_start3A_25 = tpu.memref_slice %arg9[%dma_start3A_23, %dma_start3A_24] : memref<200x64xf32, #tpu.memory_space<vmem>> -> memref<100x64xf32, #tpu.memory_space<vmem>>
    %dma_start3A_26 = arith.constant 0 : i32
    %dma_start3A_27 = tpu.memref_slice %arg6[%dma_start3A_22, %dma_start3A_26] : memref<256x100xi32, #tpu.memory_space<vmem>> -> memref<1x100xi32, #tpu.memory_space<vmem>>
    %dma_start3A_28 = tpu.memref_squeeze %dma_start3A_27 : memref<1x100xi32, #tpu.memory_space<vmem>> -> memref<100xi32, #tpu.memory_space<vmem>>
    %dma_start3A_29 = arith.constant 0 : i32
    %dma_start3A_30 = arith.constant 0 : i32
    %dma_start3A_31 = tpu.memref_slice %arg3[%dma_start3A_29, %dma_start3A_30] : memref<100000x64xf32, #tpu.memory_space<hbm>> -> memref<100000x64xf32, #tpu.memory_space<hbm>>
    tpu.enqueue_indirect_dma source(%dma_start3A_31 : memref<100000x64xf32, #tpu.memory_space<hbm>>) target(%dma_start3A_25 : memref<100x64xf32, #tpu.memory_space<vmem>>) offsets(%dma_start3A_28 : memref<100xi32, #tpu.memory_space<vmem>>) semaphore(%arg13 : memref<!tpu.dma_semaphore, #tpu.memory_space<semaphore_mem>>)
    %dma_start3A_32 = arith.constant 3 : i32
    %dma_start3A_33 = arith.constant 100 : i32
    %dma_start3A_34 = arith.constant 0 : i32
    %dma_start3A_35 = tpu.memref_slice %arg9[%dma_start3A_33, %dma_start3A_34] : memref<200x64xf32, #tpu.memory_space<vmem>> -> memref<100x64xf32, #tpu.memory_space<vmem>>
    %dma_start3A_36 = arith.constant 0 : i32
    %dma_start3A_37 = tpu.memref_slice %arg6[%dma_start3A_32, %dma_start3A_36] : memref<256x100xi32, #tpu.memory_space<vmem>> -> memref<1x100xi32, #tpu.memory_space<vmem>>
    %dma_start3A_38 = tpu.memref_squeeze %dma_start3A_37 : memref<1x100xi32, #tpu.memory_space<vmem>> -> memref<100xi32, #tpu.memory_space<vmem>>
    %dma_start3A_39 = arith.constant 0 : i32
    %dma_start3A_40 = arith.constant 0 : i32
    %dma_start3A_41 = tpu.memref_slice %arg3[%dma_start3A_39, %dma_start3A_40] : memref<100000x64xf32, #tpu.memory_space<hbm>> -> memref<100000x64xf32, #tpu.memory_space<hbm>>
    tpu.enqueue_indirect_dma source(%dma_start3A_41 : memref<100000x64xf32, #tpu.memory_space<hbm>>) target(%dma_start3A_35 : memref<100x64xf32, #tpu.memory_space<vmem>>) offsets(%dma_start3A_38 : memref<100xi32, #tpu.memory_space<vmem>>) semaphore(%arg13 : memref<!tpu.dma_semaphore, #tpu.memory_space<semaphore_mem>>)
    %dma_start3A_42 = arith.constant 4 : i32
    %dma_start3A_43 = arith.constant 0 : i32
    %dma_start3A_44 = arith.constant 0 : i32
    %dma_start3A_45 = tpu.memref_slice %arg10[%dma_start3A_43, %dma_start3A_44] : memref<200x64xf32, #tpu.memory_space<vmem>> -> memref<100x64xf32, #tpu.memory_space<vmem>>
    %dma_start3A_46 = arith.constant 0 : i32
    %dma_start3A_47 = tpu.memref_slice %arg6[%dma_start3A_42, %dma_start3A_46] : memref<256x100xi32, #tpu.memory_space<vmem>> -> memref<1x100xi32, #tpu.memory_space<vmem>>
    %dma_start3A_48 = tpu.memref_squeeze %dma_start3A_47 : memref<1x100xi32, #tpu.memory_space<vmem>> -> memref<100xi32, #tpu.memory_space<vmem>>
    %dma_start3A_49 = arith.constant 0 : i32
    %dma_start3A_50 = arith.constant 0 : i32
    %dma_start3A_51 = tpu.memref_slice %arg3[%dma_start3A_49, %dma_start3A_50] : memref<100000x64xf32, #tpu.memory_space<hbm>> -> memref<100000x64xf32, #tpu.memory_space<hbm>>
    tpu.enqueue_indirect_dma source(%dma_start3A_51 : memref<100000x64xf32, #tpu.memory_space<hbm>>) target(%dma_start3A_45 : memref<100x64xf32, #tpu.memory_space<vmem>>) offsets(%dma_start3A_48 : memref<100xi32, #tpu.memory_space<vmem>>) semaphore(%arg14 : memref<!tpu.dma_semaphore, #tpu.memory_space<semaphore_mem>>)
    %dma_start3A_52 = arith.constant 5 : i32
    %dma_start3A_53 = arith.constant 100 : i32
    %dma_start3A_54 = arith.constant 0 : i32
    %dma_start3A_55 = tpu.memref_slice %arg10[%dma_start3A_53, %dma_start3A_54] : memref<200x64xf32, #tpu.memory_space<vmem>> -> memref<100x64xf32, #tpu.memory_space<vmem>>
    %dma_start3A_56 = arith.constant 0 : i32
    %dma_start3A_57 = tpu.memref_slice %arg6[%dma_start3A_52, %dma_start3A_56] : memref<256x100xi32, #tpu.memory_space<vmem>> -> memref<1x100xi32, #tpu.memory_space<vmem>>
    %dma_start3A_58 = tpu.memref_squeeze %dma_start3A_57 : memref<1x100xi32, #tpu.memory_space<vmem>> -> memref<100xi32, #tpu.memory_space<vmem>>
    %dma_start3A_59 = arith.constant 0 : i32
    %dma_start3A_60 = arith.constant 0 : i32
    %dma_start3A_61 = tpu.memref_slice %arg3[%dma_start3A_59, %dma_start3A_60] : memref<100000x64xf32, #tpu.memory_space<hbm>> -> memref<100000x64xf32, #tpu.memory_space<hbm>>
    tpu.enqueue_indirect_dma source(%dma_start3A_61 : memref<100000x64xf32, #tpu.memory_space<hbm>>) target(%dma_start3A_55 : memref<100x64xf32, #tpu.memory_space<vmem>>) offsets(%dma_start3A_58 : memref<100xi32, #tpu.memory_space<vmem>>) semaphore(%arg14 : memref<!tpu.dma_semaphore, #tpu.memory_space<semaphore_mem>>)
    %scan3A = arith.constant 0 : i32
    %scan3A_62 = arith.constant 0 : i32
    %scan3A_63 = arith.constant 32 : i32
    %scan3A_64 = arith.addi %scan3A_62, %scan3A_63 : i32
    %scan3A_65 = arith.constant 1 : i32
    scf.for %scan3A_106 = %scan3A_62 to %scan3A_64 step %scan3A_65  : i32 {
      %mul3A_107 = arith.constant 4 : i32
      %mul3A_108 = arith.muli %scan3A_106, %mul3A_107 : i32
      %add3A_109 = arith.constant 0 : i32
      %add3A_110 = arith.addi %mul3A_108, %add3A_109 : i32
      %mul3A_111 = arith.constant 2 : i32
      %mul3A_112 = arith.muli %mul3A_111, %add3A_110 : i32
      %add3A_113 = arith.constant 0 : i32
      %add3A_114 = arith.addi %mul3A_112, %add3A_113 : i32
      %mul3A_115 = arith.constant 2 : i32
      %mul3A_116 = arith.muli %mul3A_115, %add3A_110 : i32
      %add3A_117 = arith.constant 1 : i32
      %add3A_118 = arith.addi %mul3A_116, %add3A_117 : i32
      %dma_wait3A_119 = arith.constant 0 : i32
      %dma_wait3A_120 = arith.constant 0 : i32
      %dma_wait3A_121 = tpu.memref_slice %arg8[%dma_wait3A_119, %dma_wait3A_120] : memref<200x64xf32, #tpu.memory_space<vmem>> -> memref<100x64xf32, #tpu.memory_space<vmem>>
      %dma_wait3A_122 = arith.constant 0 : i32
      %dma_wait3A_123 = tpu.memref_slice %arg6[%add3A_114, %dma_wait3A_122] : memref<256x100xi32, #tpu.memory_space<vmem>> -> memref<1x100xi32, #tpu.memory_space<vmem>>
      %dma_wait3A_124 = tpu.memref_squeeze %dma_wait3A_123 : memref<1x100xi32, #tpu.memory_space<vmem>> -> memref<100xi32, #tpu.memory_space<vmem>>
      %dma_wait3A_125 = arith.constant 0 : i32
      %dma_wait3A_126 = arith.constant 0 : i32
      %dma_wait3A_127 = tpu.memref_slice %arg3[%dma_wait3A_125, %dma_wait3A_126] : memref<100000x64xf32, #tpu.memory_space<hbm>> -> memref<100000x64xf32, #tpu.memory_space<hbm>>
      tpu.wait_indirect_dma semaphore(%arg12 : memref<!tpu.dma_semaphore, #tpu.memory_space<semaphore_mem>>) src(%dma_wait3A_127 : memref<100000x64xf32, #tpu.memory_space<hbm>>) dst(%dma_wait3A_121 : memref<100x64xf32, #tpu.memory_space<vmem>>)
      %dma_wait3A_128 = arith.constant 100 : i32
      %dma_wait3A_129 = arith.constant 0 : i32
      %dma_wait3A_130 = tpu.memref_slice %arg8[%dma_wait3A_128, %dma_wait3A_129] : memref<200x64xf32, #tpu.memory_space<vmem>> -> memref<100x64xf32, #tpu.memory_space<vmem>>
      %dma_wait3A_131 = arith.constant 0 : i32
      %dma_wait3A_132 = tpu.memref_slice %arg6[%add3A_118, %dma_wait3A_131] : memref<256x100xi32, #tpu.memory_space<vmem>> -> memref<1x100xi32, #tpu.memory_space<vmem>>
      %dma_wait3A_133 = tpu.memref_squeeze %dma_wait3A_132 : memref<1x100xi32, #tpu.memory_space<vmem>> -> memref<100xi32, #tpu.memory_space<vmem>>
      %dma_wait3A_134 = arith.constant 0 : i32
      %dma_wait3A_135 = arith.constant 0 : i32
      %dma_wait3A_136 = tpu.memref_slice %arg3[%dma_wait3A_134, %dma_wait3A_135] : memref<100000x64xf32, #tpu.memory_space<hbm>> -> memref<100000x64xf32, #tpu.memory_space<hbm>>
      tpu.wait_indirect_dma semaphore(%arg12 : memref<!tpu.dma_semaphore, #tpu.memory_space<semaphore_mem>>) src(%dma_wait3A_136 : memref<100000x64xf32, #tpu.memory_space<hbm>>) dst(%dma_wait3A_130 : memref<100x64xf32, #tpu.memory_space<vmem>>)
      %parallel_loop3A = arith.constant 0 : i32
      %parallel_loop3A_137 = arith.constant 200 : i32
      %parallel_loop3A_138 = arith.constant 1 : i32
      scf.for %parallel_loop3A_306 = %parallel_loop3A to %parallel_loop3A_137 step %parallel_loop3A_138  : i32 {
        %parallel_loop3A_307 = arith.index_cast %parallel_loop3A_306 : i32 to index
        %parallel_loop3A_308 = arith.constant 0 : index
        %parallel_loop3A_309 = tpu.vector_load %arg7[%parallel_loop3A_307, %parallel_loop3A_308] {strides = array<i32>} : memref<200x64xf32, #tpu.memory_space<vmem>>, vector<1x16xf32>,
        %parallel_loop3A_310 = vector.shape_cast %parallel_loop3A_309 : vector<1x16xf32> to vector<16xf32>
        %parallel_loop3A_311 = arith.index_cast %parallel_loop3A_306 : i32 to index
        %parallel_loop3A_312 = arith.constant 0 : index
        %parallel_loop3A_313 = tpu.vector_load %arg8[%parallel_loop3A_311, %parallel_loop3A_312] {strides = array<i32>} : memref<200x64xf32, #tpu.memory_space<vmem>>, vector<1x16xf32>,
        %parallel_loop3A_314 = vector.shape_cast %parallel_loop3A_313 : vector<1x16xf32> to vector<16xf32>
        %parallel_loop3A_315 = vector.shape_cast %parallel_loop3A_310 : vector<16xf32> to vector<1x16xf32>
        tpu.vector_store %arg8[%parallel_loop3A_311, %parallel_loop3A_312], %parallel_loop3A_315 {add = true, strides = array<i32>} : memref<200x64xf32, #tpu.memory_space<vmem>>, vector<1x16xf32>,
        %parallel_loop3A_316 = arith.index_cast %parallel_loop3A_306 : i32 to index
        %parallel_loop3A_317 = arith.constant 16 : index
        %parallel_loop3A_318 = tpu.vector_load %arg7[%parallel_loop3A_316, %parallel_loop3A_317] {strides = array<i32>} : memref<200x64xf32, #tpu.memory_space<vmem>>, vector<1x16xf32>,
        %parallel_loop3A_319 = vector.shape_cast %parallel_loop3A_318 : vector<1x16xf32> to vector<16xf32>
        %parallel_loop3A_320 = arith.index_cast %parallel_loop3A_306 : i32 to index
        %parallel_loop3A_321 = arith.constant 16 : index
        %parallel_loop3A_322 = tpu.vector_load %arg8[%parallel_loop3A_320, %parallel_loop3A_321] {strides = array<i32>} : memref<200x64xf32, #tpu.memory_space<vmem>>, vector<1x16xf32>,
        %parallel_loop3A_323 = vector.shape_cast %parallel_loop3A_322 : vector<1x16xf32> to vector<16xf32>
        %parallel_loop3A_324 = vector.shape_cast %parallel_loop3A_319 : vector<16xf32> to vector<1x16xf32>
        tpu.vector_store %arg8[%parallel_loop3A_320, %parallel_loop3A_321], %parallel_loop3A_324 {add = true, strides = array<i32>} : memref<200x64xf32, #tpu.memory_space<vmem>>, vector<1x16xf32>,
        %parallel_loop3A_325 = arith.index_cast %parallel_loop3A_306 : i32 to index
        %parallel_loop3A_326 = arith.constant 32 : index
        %parallel_loop3A_327 = tpu.vector_load %arg7[%parallel_loop3A_325, %parallel_loop3A_326] {strides = array<i32>} : memref<200x64xf32, #tpu.memory_space<vmem>>, vector<1x16xf32>,
        %parallel_loop3A_328 = vector.shape_cast %parallel_loop3A_327 : vector<1x16xf32> to vector<16xf32>
        %parallel_loop3A_329 = arith.index_cast %parallel_loop3A_306 : i32 to index
        %parallel_loop3A_330 = arith.constant 32 : index
        %parallel_loop3A_331 = tpu.vector_load %arg8[%parallel_loop3A_329, %parallel_loop3A_330] {strides = array<i32>} : memref<200x64xf32, #tpu.memory_space<vmem>>, vector<1x16xf32>,
        %parallel_loop3A_332 = vector.shape_cast %parallel_loop3A_331 : vector<1x16xf32> to vector<16xf32>
        %parallel_loop3A_333 = vector.shape_cast %parallel_loop3A_328 : vector<16xf32> to vector<1x16xf32>
        tpu.vector_store %arg8[%parallel_loop3A_329, %parallel_loop3A_330], %parallel_loop3A_333 {add = true, strides = array<i32>} : memref<200x64xf32, #tpu.memory_space<vmem>>, vector<1x16xf32>,
        %parallel_loop3A_334 = arith.index_cast %parallel_loop3A_306 : i32 to index
        %parallel_loop3A_335 = arith.constant 48 : index
        %parallel_loop3A_336 = tpu.vector_load %arg7[%parallel_loop3A_334, %parallel_loop3A_335] {strides = array<i32>} : memref<200x64xf32, #tpu.memory_space<vmem>>, vector<1x16xf32>,
        %parallel_loop3A_337 = vector.shape_cast %parallel_loop3A_336 : vector<1x16xf32> to vector<16xf32>
        %parallel_loop3A_338 = arith.index_cast %parallel_loop3A_306 : i32 to index
        %parallel_loop3A_339 = arith.constant 48 : index
        %parallel_loop3A_340 = tpu.vector_load %arg8[%parallel_loop3A_338, %parallel_loop3A_339] {strides = array<i32>} : memref<200x64xf32, #tpu.memory_space<vmem>>, vector<1x16xf32>,
        %parallel_loop3A_341 = vector.shape_cast %parallel_loop3A_340 : vector<1x16xf32> to vector<16xf32>
        %parallel_loop3A_342 = vector.shape_cast %parallel_loop3A_337 : vector<16xf32> to vector<1x16xf32>
        tpu.vector_store %arg8[%parallel_loop3A_338, %parallel_loop3A_339], %parallel_loop3A_342 {add = true, strides = array<i32>} : memref<200x64xf32, #tpu.memory_space<vmem>>, vector<1x16xf32>,
      } {sc.loop_unroll_factor = 4 : i64, sc.parallel_access}
      %add3A_139 = arith.addi %mul3A_2, %add3A_110 : i32
      %dma_start3A_140 = arith.constant 0 : i32
      %dma_start3A_141 = arith.constant 0 : i32
      %dma_start3A_142 = tpu.memref_slice %arg5[%add3A_139, %dma_start3A_140, %dma_start3A_141] : memref<4096x200x128xf32, #tpu.memory_space<hbm>> -> memref<1x200x64xf32, #tpu.memory_space<hbm>>
      %dma_start3A_143 = tpu.memref_squeeze %dma_start3A_142 : memref<1x200x64xf32, #tpu.memory_space<hbm>> -> memref<200x64xf32, #tpu.memory_space<hbm>>
      %dma_start3A_144 = arith.constant 0 : i32
      %dma_start3A_145 = arith.constant 0 : i32
      %dma_start3A_146 = tpu.memref_slice %arg5[%add3A_139, %dma_start3A_144, %dma_start3A_145] : memref<4096x200x128xf32, #tpu.memory_space<hbm>> -> memref<1x200x64xf32, #tpu.memory_space<hbm>>
      %dma_start3A_147 = tpu.memref_squeeze %dma_start3A_146 : memref<1x200x64xf32, #tpu.memory_space<hbm>> -> memref<200x64xf32, #tpu.memory_space<hbm>>
      tpu.enqueue_dma source(%arg8 : memref<200x64xf32, #tpu.memory_space<vmem>>) target(%dma_start3A_147 : memref<200x64xf32, #tpu.memory_space<hbm>>) target_semaphore(%arg16 : memref<!tpu.dma_semaphore, #tpu.memory_space<semaphore_mem>>)
      %add3A_148 = arith.constant 4 : i32
      %add3A_149 = arith.addi %add3A_110, %add3A_148 : i32
      %sub3A = arith.constant 1 : i32
      %sub3A_150 = arith.subi %add3A_149, %sub3A : i32
      %lt3A = arith.constant 128 : i32
      %lt3A_151 = arith.cmpi slt, %sub3A_150, %lt3A : i32
      %convert_element_type3A = arith.extui %lt3A_151 : i1 to i32
      %cond3A = arith.constant 0 : i32
      %cond3A_152 = arith.cmpi ne, %convert_element_type3A, %cond3A : i32
      scf.if %cond3A_152 {
        %ge3A = arith.constant 1 : i32
        %ge3A_306 = arith.cmpi sge, %add3A_110, %ge3A : i32
        %convert_element_type3A_307 = arith.extui %ge3A_306 : i1 to i32
        %cond3A_308 = arith.constant 0 : i32
        %cond3A_309 = arith.cmpi ne, %convert_element_type3A_307, %cond3A_308 : i32
        scf.if %cond3A_309 {
          %sub3A_336 = arith.constant 1 : i32
          %sub3A_337 = arith.subi %add3A_110, %sub3A_336 : i32
          %add3A_338 = arith.addi %mul3A_2, %sub3A_337 : i32
          %dma_wait3A_339 = arith.constant 0 : i32
          %dma_wait3A_340 = arith.constant 0 : i32
          %dma_wait3A_341 = tpu.memref_slice %arg5[%add3A_338, %dma_wait3A_339, %dma_wait3A_340] : memref<4096x200x128xf32, #tpu.memory_space<hbm>> -> memref<1x200x64xf32, #tpu.memory_space<hbm>>
          %dma_wait3A_342 = tpu.memref_squeeze %dma_wait3A_341 : memref<1x200x64xf32, #tpu.memory_space<hbm>> -> memref<200x64xf32, #tpu.memory_space<hbm>>
          %dma_wait3A_343 = arith.constant 0 : i32
          %dma_wait3A_344 = arith.constant 0 : i32
          %dma_wait3A_345 = tpu.memref_slice %arg5[%add3A_338, %dma_wait3A_343, %dma_wait3A_344] : memref<4096x200x128xf32, #tpu.memory_space<hbm>> -> memref<1x200x64xf32, #tpu.memory_space<hbm>>
          %dma_wait3A_346 = tpu.memref_squeeze %dma_wait3A_345 : memref<1x200x64xf32, #tpu.memory_space<hbm>> -> memref<200x64xf32, #tpu.memory_space<hbm>>
          tpu.wait_dma2 semaphore(%arg19 : memref<!tpu.dma_semaphore, #tpu.memory_space<semaphore_mem>>) src(%arg11 : memref<200x64xf32, #tpu.memory_space<vmem>>) dst(%dma_wait3A_346 : memref<200x64xf32, #tpu.memory_space<hbm>>)
        } else {
        }
        %mul3A_310 = arith.constant 2 : i32
        %mul3A_311 = arith.muli %mul3A_310, %sub3A_150 : i32
        %add3A_312 = arith.constant 0 : i32
        %add3A_313 = arith.addi %mul3A_311, %add3A_312 : i32
        %mul3A_314 = arith.constant 2 : i32
        %mul3A_315 = arith.muli %mul3A_314, %sub3A_150 : i32
        %add3A_316 = arith.constant 1 : i32
        %add3A_317 = arith.addi %mul3A_315, %add3A_316 : i32
        %dma_start3A_318 = arith.constant 0 : i32
        %dma_start3A_319 = arith.constant 0 : i32
        %dma_start3A_320 = tpu.memref_slice %arg11[%dma_start3A_318, %dma_start3A_319] : memref<200x64xf32, #tpu.memory_space<vmem>> -> memref<100x64xf32, #tpu.memory_space<vmem>>
        %dma_start3A_321 = arith.constant 0 : i32
        %dma_start3A_322 = tpu.memref_slice %arg6[%add3A_313, %dma_start3A_321] : memref<256x100xi32, #tpu.memory_space<vmem>> -> memref<1x100xi32, #tpu.memory_space<vmem>>
        %dma_start3A_323 = tpu.memref_squeeze %dma_start3A_322 : memref<1x100xi32, #tpu.memory_space<vmem>> -> memref<100xi32, #tpu.memory_space<vmem>>
        %dma_start3A_324 = arith.constant 0 : i32
        %dma_start3A_325 = arith.constant 0 : i32
        %dma_start3A_326 = tpu.memref_slice %arg3[%dma_start3A_324, %dma_start3A_325] : memref<100000x64xf32, #tpu.memory_space<hbm>> -> memref<100000x64xf32, #tpu.memory_space<hbm>>
        tpu.enqueue_indirect_dma source(%dma_start3A_326 : memref<100000x64xf32, #tpu.memory_space<hbm>>) target(%dma_start3A_320 : memref<100x64xf32, #tpu.memory_space<vmem>>) offsets(%dma_start3A_323 : memref<100xi32, #tpu.memory_space<vmem>>) semaphore(%arg15 : memref<!tpu.dma_semaphore, #tpu.memory_space<semaphore_mem>>)
        %dma_start3A_327 = arith.constant 100 : i32
        %dma_start3A_328 = arith.constant 0 : i32
        %dma_start3A_329 = tpu.memref_slice %arg11[%dma_start3A_327, %dma_start3A_328] : memref<200x64xf32, #tpu.memory_space<vmem>> -> memref<100x64xf32, #tpu.memory_space<vmem>>
        %dma_start3A_330 = arith.constant 0 : i32
        %dma_start3A_331 = tpu.memref_slice %arg6[%add3A_317, %dma_start3A_330] : memref<256x100xi32, #tpu.memory_space<vmem>> -> memref<1x100xi32, #tpu.memory_space<vmem>>
        %dma_start3A_332 = tpu.memref_squeeze %dma_start3A_331 : memref<1x100xi32, #tpu.memory_space<vmem>> -> memref<100xi32, #tpu.memory_space<vmem>>
        %dma_start3A_333 = arith.constant 0 : i32
        %dma_start3A_334 = arith.constant 0 : i32
        %dma_start3A_335 = tpu.memref_slice %arg3[%dma_start3A_333, %dma_start3A_334] : memref<100000x64xf32, #tpu.memory_space<hbm>> -> memref<100000x64xf32, #tpu.memory_space<hbm>>
        tpu.enqueue_indirect_dma source(%dma_start3A_335 : memref<100000x64xf32, #tpu.memory_space<hbm>>) target(%dma_start3A_329 : memref<100x64xf32, #tpu.memory_space<vmem>>) offsets(%dma_start3A_332 : memref<100xi32, #tpu.memory_space<vmem>>) semaphore(%arg15 : memref<!tpu.dma_semaphore, #tpu.memory_space<semaphore_mem>>)
      } else {
      }
      %mul3A_153 = arith.constant 4 : i32
      %mul3A_154 = arith.muli %scan3A_106, %mul3A_153 : i32
      %add3A_155 = arith.constant 1 : i32
      %add3A_156 = arith.addi %mul3A_154, %add3A_155 : i32
      %mul3A_157 = arith.constant 2 : i32
      %mul3A_158 = arith.muli %mul3A_157, %add3A_156 : i32
      %add3A_159 = arith.constant 0 : i32
      %add3A_160 = arith.addi %mul3A_158, %add3A_159 : i32
      %mul3A_161 = arith.constant 2 : i32
      %mul3A_162 = arith.muli %mul3A_161, %add3A_156 : i32
      %add3A_163 = arith.constant 1 : i32
      %add3A_164 = arith.addi %mul3A_162, %add3A_163 : i32
      %dma_wait3A_165 = arith.constant 0 : i32
      %dma_wait3A_166 = arith.constant 0 : i32
      %dma_wait3A_167 = tpu.memref_slice %arg9[%dma_wait3A_165, %dma_wait3A_166] : memref<200x64xf32, #tpu.memory_space<vmem>> -> memref<100x64xf32, #tpu.memory_space<vmem>>
      %dma_wait3A_168 = arith.constant 0 : i32
      %dma_wait3A_169 = tpu.memref_slice %arg6[%add3A_160, %dma_wait3A_168] : memref<256x100xi32, #tpu.memory_space<vmem>> -> memref<1x100xi32, #tpu.memory_space<vmem>>
      %dma_wait3A_170 = tpu.memref_squeeze %dma_wait3A_169 : memref<1x100xi32, #tpu.memory_space<vmem>> -> memref<100xi32, #tpu.memory_space<vmem>>
      %dma_wait3A_171 = arith.constant 0 : i32
      %dma_wait3A_172 = arith.constant 0 : i32
      %dma_wait3A_173 = tpu.memref_slice %arg3[%dma_wait3A_171, %dma_wait3A_172] : memref<100000x64xf32, #tpu.memory_space<hbm>> -> memref<100000x64xf32, #tpu.memory_space<hbm>>
      tpu.wait_indirect_dma semaphore(%arg13 : memref<!tpu.dma_semaphore, #tpu.memory_space<semaphore_mem>>) src(%dma_wait3A_173 : memref<100000x64xf32, #tpu.memory_space<hbm>>) dst(%dma_wait3A_167 : memref<100x64xf32, #tpu.memory_space<vmem>>)
      %dma_wait3A_174 = arith.constant 100 : i32
      %dma_wait3A_175 = arith.constant 0 : i32
      %dma_wait3A_176 = tpu.memref_slice %arg9[%dma_wait3A_174, %dma_wait3A_175] : memref<200x64xf32, #tpu.memory_space<vmem>> -> memref<100x64xf32, #tpu.memory_space<vmem>>
      %dma_wait3A_177 = arith.constant 0 : i32
      %dma_wait3A_178 = tpu.memref_slice %arg6[%add3A_164, %dma_wait3A_177] : memref<256x100xi32, #tpu.memory_space<vmem>> -> memref<1x100xi32, #tpu.memory_space<vmem>>
      %dma_wait3A_179 = tpu.memref_squeeze %dma_wait3A_178 : memref<1x100xi32, #tpu.memory_space<vmem>> -> memref<100xi32, #tpu.memory_space<vmem>>
      %dma_wait3A_180 = arith.constant 0 : i32
      %dma_wait3A_181 = arith.constant 0 : i32
      %dma_wait3A_182 = tpu.memref_slice %arg3[%dma_wait3A_180, %dma_wait3A_181] : memref<100000x64xf32, #tpu.memory_space<hbm>> -> memref<100000x64xf32, #tpu.memory_space<hbm>>
      tpu.wait_indirect_dma semaphore(%arg13 : memref<!tpu.dma_semaphore, #tpu.memory_space<semaphore_mem>>) src(%dma_wait3A_182 : memref<100000x64xf32, #tpu.memory_space<hbm>>) dst(%dma_wait3A_176 : memref<100x64xf32, #tpu.memory_space<vmem>>)
      %parallel_loop3A_183 = arith.constant 0 : i32
      %parallel_loop3A_184 = arith.constant 200 : i32
      %parallel_loop3A_185 = arith.constant 1 : i32
      scf.for %parallel_loop3A_306 = %parallel_loop3A_183 to %parallel_loop3A_184 step %parallel_loop3A_185  : i32 {
        %parallel_loop3A_307 = arith.index_cast %parallel_loop3A_306 : i32 to index
        %parallel_loop3A_308 = arith.constant 0 : index
        %parallel_loop3A_309 = tpu.vector_load %arg7[%parallel_loop3A_307, %parallel_loop3A_308] {strides = array<i32>} : memref<200x64xf32, #tpu.memory_space<vmem>>, vector<1x16xf32>,
        %parallel_loop3A_310 = vector.shape_cast %parallel_loop3A_309 : vector<1x16xf32> to vector<16xf32>
        %parallel_loop3A_311 = arith.index_cast %parallel_loop3A_306 : i32 to index
        %parallel_loop3A_312 = arith.constant 0 : index
        %parallel_loop3A_313 = tpu.vector_load %arg9[%parallel_loop3A_311, %parallel_loop3A_312] {strides = array<i32>} : memref<200x64xf32, #tpu.memory_space<vmem>>, vector<1x16xf32>,
        %parallel_loop3A_314 = vector.shape_cast %parallel_loop3A_313 : vector<1x16xf32> to vector<16xf32>
        %parallel_loop3A_315 = vector.shape_cast %parallel_loop3A_310 : vector<16xf32> to vector<1x16xf32>
        tpu.vector_store %arg9[%parallel_loop3A_311, %parallel_loop3A_312], %parallel_loop3A_315 {add = true, strides = array<i32>} : memref<200x64xf32, #tpu.memory_space<vmem>>, vector<1x16xf32>,
        %parallel_loop3A_316 = arith.index_cast %parallel_loop3A_306 : i32 to index
        %parallel_loop3A_317 = arith.constant 16 : index
        %parallel_loop3A_318 = tpu.vector_load %arg7[%parallel_loop3A_316, %parallel_loop3A_317] {strides = array<i32>} : memref<200x64xf32, #tpu.memory_space<vmem>>, vector<1x16xf32>,
        %parallel_loop3A_319 = vector.shape_cast %parallel_loop3A_318 : vector<1x16xf32> to vector<16xf32>
        %parallel_loop3A_320 = arith.index_cast %parallel_loop3A_306 : i32 to index
        %parallel_loop3A_321 = arith.constant 16 : index
        %parallel_loop3A_322 = tpu.vector_load %arg9[%parallel_loop3A_320, %parallel_loop3A_321] {strides = array<i32>} : memref<200x64xf32, #tpu.memory_space<vmem>>, vector<1x16xf32>,
        %parallel_loop3A_323 = vector.shape_cast %parallel_loop3A_322 : vector<1x16xf32> to vector<16xf32>
        %parallel_loop3A_324 = vector.shape_cast %parallel_loop3A_319 : vector<16xf32> to vector<1x16xf32>
        tpu.vector_store %arg9[%parallel_loop3A_320, %parallel_loop3A_321], %parallel_loop3A_324 {add = true, strides = array<i32>} : memref<200x64xf32, #tpu.memory_space<vmem>>, vector<1x16xf32>,
        %parallel_loop3A_325 = arith.index_cast %parallel_loop3A_306 : i32 to index
        %parallel_loop3A_326 = arith.constant 32 : index
        %parallel_loop3A_327 = tpu.vector_load %arg7[%parallel_loop3A_325, %parallel_loop3A_326] {strides = array<i32>} : memref<200x64xf32, #tpu.memory_space<vmem>>, vector<1x16xf32>,
        %parallel_loop3A_328 = vector.shape_cast %parallel_loop3A_327 : vector<1x16xf32> to vector<16xf32>
        %parallel_loop3A_329 = arith.index_cast %parallel_loop3A_306 : i32 to index
        %parallel_loop3A_330 = arith.constant 32 : index
        %parallel_loop3A_331 = tpu.vector_load %arg9[%parallel_loop3A_329, %parallel_loop3A_330] {strides = array<i32>} : memref<200x64xf32, #tpu.memory_space<vmem>>, vector<1x16xf32>,
        %parallel_loop3A_332 = vector.shape_cast %parallel_loop3A_331 : vector<1x16xf32> to vector<16xf32>
        %parallel_loop3A_333 = vector.shape_cast %parallel_loop3A_328 : vector<16xf32> to vector<1x16xf32>
        tpu.vector_store %arg9[%parallel_loop3A_329, %parallel_loop3A_330], %parallel_loop3A_333 {add = true, strides = array<i32>} : memref<200x64xf32, #tpu.memory_space<vmem>>, vector<1x16xf32>,
        %parallel_loop3A_334 = arith.index_cast %parallel_loop3A_306 : i32 to index
        %parallel_loop3A_335 = arith.constant 48 : index
        %parallel_loop3A_336 = tpu.vector_load %arg7[%parallel_loop3A_334, %parallel_loop3A_335] {strides = array<i32>} : memref<200x64xf32, #tpu.memory_space<vmem>>, vector<1x16xf32>,
        %parallel_loop3A_337 = vector.shape_cast %parallel_loop3A_336 : vector<1x16xf32> to vector<16xf32>
        %parallel_loop3A_338 = arith.index_cast %parallel_loop3A_306 : i32 to index
        %parallel_loop3A_339 = arith.constant 48 : index
        %parallel_loop3A_340 = tpu.vector_load %arg9[%parallel_loop3A_338, %parallel_loop3A_339] {strides = array<i32>} : memref<200x64xf32, #tpu.memory_space<vmem>>, vector<1x16xf32>,
        %parallel_loop3A_341 = vector.shape_cast %parallel_loop3A_340 : vector<1x16xf32> to vector<16xf32>
        %parallel_loop3A_342 = vector.shape_cast %parallel_loop3A_337 : vector<16xf32> to vector<1x16xf32>
        tpu.vector_store %arg9[%parallel_loop3A_338, %parallel_loop3A_339], %parallel_loop3A_342 {add = true, strides = array<i32>} : memref<200x64xf32, #tpu.memory_space<vmem>>, vector<1x16xf32>,
      } {sc.loop_unroll_factor = 4 : i64, sc.parallel_access}
      %add3A_186 = arith.addi %mul3A_2, %add3A_156 : i32
      %dma_start3A_187 = arith.constant 0 : i32
      %dma_start3A_188 = arith.constant 0 : i32
      %dma_start3A_189 = tpu.memref_slice %arg5[%add3A_186, %dma_start3A_187, %dma_start3A_188] : memref<4096x200x128xf32, #tpu.memory_space<hbm>> -> memref<1x200x64xf32, #tpu.memory_space<hbm>>
      %dma_start3A_190 = tpu.memref_squeeze %dma_start3A_189 : memref<1x200x64xf32, #tpu.memory_space<hbm>> -> memref<200x64xf32, #tpu.memory_space<hbm>>
      %dma_start3A_191 = arith.constant 0 : i32
      %dma_start3A_192 = arith.constant 0 : i32
      %dma_start3A_193 = tpu.memref_slice %arg5[%add3A_186, %dma_start3A_191, %dma_start3A_192] : memref<4096x200x128xf32, #tpu.memory_space<hbm>> -> memref<1x200x64xf32, #tpu.memory_space<hbm>>
      %dma_start3A_194 = tpu.memref_squeeze %dma_start3A_193 : memref<1x200x64xf32, #tpu.memory_space<hbm>> -> memref<200x64xf32, #tpu.memory_space<hbm>>
      tpu.enqueue_dma source(%arg9 : memref<200x64xf32, #tpu.memory_space<vmem>>) target(%dma_start3A_194 : memref<200x64xf32, #tpu.memory_space<hbm>>) target_semaphore(%arg17 : memref<!tpu.dma_semaphore, #tpu.memory_space<semaphore_mem>>)
      %add3A_195 = arith.constant 4 : i32
      %add3A_196 = arith.addi %add3A_156, %add3A_195 : i32
      %sub3A_197 = arith.constant 1 : i32
      %sub3A_198 = arith.subi %add3A_196, %sub3A_197 : i32
      %lt3A_199 = arith.constant 128 : i32
      %lt3A_200 = arith.cmpi slt, %sub3A_198, %lt3A_199 : i32
      %convert_element_type3A_201 = arith.extui %lt3A_200 : i1 to i32
      %cond3A_202 = arith.constant 0 : i32
      %cond3A_203 = arith.cmpi ne, %convert_element_type3A_201, %cond3A_202 : i32
      scf.if %cond3A_203 {
        %ge3A = arith.constant 1 : i32
        %ge3A_306 = arith.cmpi sge, %add3A_156, %ge3A : i32
        %convert_element_type3A_307 = arith.extui %ge3A_306 : i1 to i32
        %cond3A_308 = arith.constant 0 : i32
        %cond3A_309 = arith.cmpi ne, %convert_element_type3A_307, %cond3A_308 : i32
        scf.if %cond3A_309 {
          %sub3A_336 = arith.constant 1 : i32
          %sub3A_337 = arith.subi %add3A_156, %sub3A_336 : i32
          %add3A_338 = arith.addi %mul3A_2, %sub3A_337 : i32
          %dma_wait3A_339 = arith.constant 0 : i32
          %dma_wait3A_340 = arith.constant 0 : i32
          %dma_wait3A_341 = tpu.memref_slice %arg5[%add3A_338, %dma_wait3A_339, %dma_wait3A_340] : memref<4096x200x128xf32, #tpu.memory_space<hbm>> -> memref<1x200x64xf32, #tpu.memory_space<hbm>>
          %dma_wait3A_342 = tpu.memref_squeeze %dma_wait3A_341 : memref<1x200x64xf32, #tpu.memory_space<hbm>> -> memref<200x64xf32, #tpu.memory_space<hbm>>
          %dma_wait3A_343 = arith.constant 0 : i32
          %dma_wait3A_344 = arith.constant 0 : i32
          %dma_wait3A_345 = tpu.memref_slice %arg5[%add3A_338, %dma_wait3A_343, %dma_wait3A_344] : memref<4096x200x128xf32, #tpu.memory_space<hbm>> -> memref<1x200x64xf32, #tpu.memory_space<hbm>>
          %dma_wait3A_346 = tpu.memref_squeeze %dma_wait3A_345 : memref<1x200x64xf32, #tpu.memory_space<hbm>> -> memref<200x64xf32, #tpu.memory_space<hbm>>
          tpu.wait_dma2 semaphore(%arg16 : memref<!tpu.dma_semaphore, #tpu.memory_space<semaphore_mem>>) src(%arg8 : memref<200x64xf32, #tpu.memory_space<vmem>>) dst(%dma_wait3A_346 : memref<200x64xf32, #tpu.memory_space<hbm>>)
        } else {
        }
        %mul3A_310 = arith.constant 2 : i32
        %mul3A_311 = arith.muli %mul3A_310, %sub3A_198 : i32
        %add3A_312 = arith.constant 0 : i32
        %add3A_313 = arith.addi %mul3A_311, %add3A_312 : i32
        %mul3A_314 = arith.constant 2 : i32
        %mul3A_315 = arith.muli %mul3A_314, %sub3A_198 : i32
        %add3A_316 = arith.constant 1 : i32
        %add3A_317 = arith.addi %mul3A_315, %add3A_316 : i32
        %dma_start3A_318 = arith.constant 0 : i32
        %dma_start3A_319 = arith.constant 0 : i32
        %dma_start3A_320 = tpu.memref_slice %arg8[%dma_start3A_318, %dma_start3A_319] : memref<200x64xf32, #tpu.memory_space<vmem>> -> memref<100x64xf32, #tpu.memory_space<vmem>>
        %dma_start3A_321 = arith.constant 0 : i32
        %dma_start3A_322 = tpu.memref_slice %arg6[%add3A_313, %dma_start3A_321] : memref<256x100xi32, #tpu.memory_space<vmem>> -> memref<1x100xi32, #tpu.memory_space<vmem>>
        %dma_start3A_323 = tpu.memref_squeeze %dma_start3A_322 : memref<1x100xi32, #tpu.memory_space<vmem>> -> memref<100xi32, #tpu.memory_space<vmem>>
        %dma_start3A_324 = arith.constant 0 : i32
        %dma_start3A_325 = arith.constant 0 : i32
        %dma_start3A_326 = tpu.memref_slice %arg3[%dma_start3A_324, %dma_start3A_325] : memref<100000x64xf32, #tpu.memory_space<hbm>> -> memref<100000x64xf32, #tpu.memory_space<hbm>>
        tpu.enqueue_indirect_dma source(%dma_start3A_326 : memref<100000x64xf32, #tpu.memory_space<hbm>>) target(%dma_start3A_320 : memref<100x64xf32, #tpu.memory_space<vmem>>) offsets(%dma_start3A_323 : memref<100xi32, #tpu.memory_space<vmem>>) semaphore(%arg12 : memref<!tpu.dma_semaphore, #tpu.memory_space<semaphore_mem>>)
        %dma_start3A_327 = arith.constant 100 : i32
        %dma_start3A_328 = arith.constant 0 : i32
        %dma_start3A_329 = tpu.memref_slice %arg8[%dma_start3A_327, %dma_start3A_328] : memref<200x64xf32, #tpu.memory_space<vmem>> -> memref<100x64xf32, #tpu.memory_space<vmem>>
        %dma_start3A_330 = arith.constant 0 : i32
        %dma_start3A_331 = tpu.memref_slice %arg6[%add3A_317, %dma_start3A_330] : memref<256x100xi32, #tpu.memory_space<vmem>> -> memref<1x100xi32, #tpu.memory_space<vmem>>
        %dma_start3A_332 = tpu.memref_squeeze %dma_start3A_331 : memref<1x100xi32, #tpu.memory_space<vmem>> -> memref<100xi32, #tpu.memory_space<vmem>>
        %dma_start3A_333 = arith.constant 0 : i32
        %dma_start3A_334 = arith.constant 0 : i32
        %dma_start3A_335 = tpu.memref_slice %arg3[%dma_start3A_333, %dma_start3A_334] : memref<100000x64xf32, #tpu.memory_space<hbm>> -> memref<100000x64xf32, #tpu.memory_space<hbm>>
        tpu.enqueue_indirect_dma source(%dma_start3A_335 : memref<100000x64xf32, #tpu.memory_space<hbm>>) target(%dma_start3A_329 : memref<100x64xf32, #tpu.memory_space<vmem>>) offsets(%dma_start3A_332 : memref<100xi32, #tpu.memory_space<vmem>>) semaphore(%arg12 : memref<!tpu.dma_semaphore, #tpu.memory_space<semaphore_mem>>)
      } else {
      }
      %mul3A_204 = arith.constant 4 : i32
      %mul3A_205 = arith.muli %scan3A_106, %mul3A_204 : i32
      %add3A_206 = arith.constant 2 : i32
      %add3A_207 = arith.addi %mul3A_205, %add3A_206 : i32
      %mul3A_208 = arith.constant 2 : i32
      %mul3A_209 = arith.muli %mul3A_208, %add3A_207 : i32
      %add3A_210 = arith.constant 0 : i32
      %add3A_211 = arith.addi %mul3A_209, %add3A_210 : i32
      %mul3A_212 = arith.constant 2 : i32
      %mul3A_213 = arith.muli %mul3A_212, %add3A_207 : i32
      %add3A_214 = arith.constant 1 : i32
      %add3A_215 = arith.addi %mul3A_213, %add3A_214 : i32
      %dma_wait3A_216 = arith.constant 0 : i32
      %dma_wait3A_217 = arith.constant 0 : i32
      %dma_wait3A_218 = tpu.memref_slice %arg10[%dma_wait3A_216, %dma_wait3A_217] : memref<200x64xf32, #tpu.memory_space<vmem>> -> memref<100x64xf32, #tpu.memory_space<vmem>>
      %dma_wait3A_219 = arith.constant 0 : i32
      %dma_wait3A_220 = tpu.memref_slice %arg6[%add3A_211, %dma_wait3A_219] : memref<256x100xi32, #tpu.memory_space<vmem>> -> memref<1x100xi32, #tpu.memory_space<vmem>>
      %dma_wait3A_221 = tpu.memref_squeeze %dma_wait3A_220 : memref<1x100xi32, #tpu.memory_space<vmem>> -> memref<100xi32, #tpu.memory_space<vmem>>
      %dma_wait3A_222 = arith.constant 0 : i32
      %dma_wait3A_223 = arith.constant 0 : i32
      %dma_wait3A_224 = tpu.memref_slice %arg3[%dma_wait3A_222, %dma_wait3A_223] : memref<100000x64xf32, #tpu.memory_space<hbm>> -> memref<100000x64xf32, #tpu.memory_space<hbm>>
      tpu.wait_indirect_dma semaphore(%arg14 : memref<!tpu.dma_semaphore, #tpu.memory_space<semaphore_mem>>) src(%dma_wait3A_224 : memref<100000x64xf32, #tpu.memory_space<hbm>>) dst(%dma_wait3A_218 : memref<100x64xf32, #tpu.memory_space<vmem>>)
      %dma_wait3A_225 = arith.constant 100 : i32
      %dma_wait3A_226 = arith.constant 0 : i32
      %dma_wait3A_227 = tpu.memref_slice %arg10[%dma_wait3A_225, %dma_wait3A_226] : memref<200x64xf32, #tpu.memory_space<vmem>> -> memref<100x64xf32, #tpu.memory_space<vmem>>
      %dma_wait3A_228 = arith.constant 0 : i32
      %dma_wait3A_229 = tpu.memref_slice %arg6[%add3A_215, %dma_wait3A_228] : memref<256x100xi32, #tpu.memory_space<vmem>> -> memref<1x100xi32, #tpu.memory_space<vmem>>
      %dma_wait3A_230 = tpu.memref_squeeze %dma_wait3A_229 : memref<1x100xi32, #tpu.memory_space<vmem>> -> memref<100xi32, #tpu.memory_space<vmem>>
      %dma_wait3A_231 = arith.constant 0 : i32
      %dma_wait3A_232 = arith.constant 0 : i32
      %dma_wait3A_233 = tpu.memref_slice %arg3[%dma_wait3A_231, %dma_wait3A_232] : memref<100000x64xf32, #tpu.memory_space<hbm>> -> memref<100000x64xf32, #tpu.memory_space<hbm>>
      tpu.wait_indirect_dma semaphore(%arg14 : memref<!tpu.dma_semaphore, #tpu.memory_space<semaphore_mem>>) src(%dma_wait3A_233 : memref<100000x64xf32, #tpu.memory_space<hbm>>) dst(%dma_wait3A_227 : memref<100x64xf32, #tpu.memory_space<vmem>>)
      %parallel_loop3A_234 = arith.constant 0 : i32
      %parallel_loop3A_235 = arith.constant 200 : i32
      %parallel_loop3A_236 = arith.constant 1 : i32
      scf.for %parallel_loop3A_306 = %parallel_loop3A_234 to %parallel_loop3A_235 step %parallel_loop3A_236  : i32 {
        %parallel_loop3A_307 = arith.index_cast %parallel_loop3A_306 : i32 to index
        %parallel_loop3A_308 = arith.constant 0 : index
        %parallel_loop3A_309 = tpu.vector_load %arg7[%parallel_loop3A_307, %parallel_loop3A_308] {strides = array<i32>} : memref<200x64xf32, #tpu.memory_space<vmem>>, vector<1x16xf32>,
        %parallel_loop3A_310 = vector.shape_cast %parallel_loop3A_309 : vector<1x16xf32> to vector<16xf32>
        %parallel_loop3A_311 = arith.index_cast %parallel_loop3A_306 : i32 to index
        %parallel_loop3A_312 = arith.constant 0 : index
        %parallel_loop3A_313 = tpu.vector_load %arg10[%parallel_loop3A_311, %parallel_loop3A_312] {strides = array<i32>} : memref<200x64xf32, #tpu.memory_space<vmem>>, vector<1x16xf32>,
        %parallel_loop3A_314 = vector.shape_cast %parallel_loop3A_313 : vector<1x16xf32> to vector<16xf32>
        %parallel_loop3A_315 = vector.shape_cast %parallel_loop3A_310 : vector<16xf32> to vector<1x16xf32>
        tpu.vector_store %arg10[%parallel_loop3A_311, %parallel_loop3A_312], %parallel_loop3A_315 {add = true, strides = array<i32>} : memref<200x64xf32, #tpu.memory_space<vmem>>, vector<1x16xf32>,
        %parallel_loop3A_316 = arith.index_cast %parallel_loop3A_306 : i32 to index
        %parallel_loop3A_317 = arith.constant 16 : index
        %parallel_loop3A_318 = tpu.vector_load %arg7[%parallel_loop3A_316, %parallel_loop3A_317] {strides = array<i32>} : memref<200x64xf32, #tpu.memory_space<vmem>>, vector<1x16xf32>,
        %parallel_loop3A_319 = vector.shape_cast %parallel_loop3A_318 : vector<1x16xf32> to vector<16xf32>
        %parallel_loop3A_320 = arith.index_cast %parallel_loop3A_306 : i32 to index
        %parallel_loop3A_321 = arith.constant 16 : index
        %parallel_loop3A_322 = tpu.vector_load %arg10[%parallel_loop3A_320, %parallel_loop3A_321] {strides = array<i32>} : memref<200x64xf32, #tpu.memory_space<vmem>>, vector<1x16xf32>,
        %parallel_loop3A_323 = vector.shape_cast %parallel_loop3A_322 : vector<1x16xf32> to vector<16xf32>
        %parallel_loop3A_324 = vector.shape_cast %parallel_loop3A_319 : vector<16xf32> to vector<1x16xf32>
        tpu.vector_store %arg10[%parallel_loop3A_320, %parallel_loop3A_321], %parallel_loop3A_324 {add = true, strides = array<i32>} : memref<200x64xf32, #tpu.memory_space<vmem>>, vector<1x16xf32>,
        %parallel_loop3A_325 = arith.index_cast %parallel_loop3A_306 : i32 to index
        %parallel_loop3A_326 = arith.constant 32 : index
        %parallel_loop3A_327 = tpu.vector_load %arg7[%parallel_loop3A_325, %parallel_loop3A_326] {strides = array<i32>} : memref<200x64xf32, #tpu.memory_space<vmem>>, vector<1x16xf32>,
        %parallel_loop3A_328 = vector.shape_cast %parallel_loop3A_327 : vector<1x16xf32> to vector<16xf32>
        %parallel_loop3A_329 = arith.index_cast %parallel_loop3A_306 : i32 to index
        %parallel_loop3A_330 = arith.constant 32 : index
        %parallel_loop3A_331 = tpu.vector_load %arg10[%parallel_loop3A_329, %parallel_loop3A_330] {strides = array<i32>} : memref<200x64xf32, #tpu.memory_space<vmem>>, vector<1x16xf32>,
        %parallel_loop3A_332 = vector.shape_cast %parallel_loop3A_331 : vector<1x16xf32> to vector<16xf32>
        %parallel_loop3A_333 = vector.shape_cast %parallel_loop3A_328 : vector<16xf32> to vector<1x16xf32>
        tpu.vector_store %arg10[%parallel_loop3A_329, %parallel_loop3A_330], %parallel_loop3A_333 {add = true, strides = array<i32>} : memref<200x64xf32, #tpu.memory_space<vmem>>, vector<1x16xf32>,
        %parallel_loop3A_334 = arith.index_cast %parallel_loop3A_306 : i32 to index
        %parallel_loop3A_335 = arith.constant 48 : index
        %parallel_loop3A_336 = tpu.vector_load %arg7[%parallel_loop3A_334, %parallel_loop3A_335] {strides = array<i32>} : memref<200x64xf32, #tpu.memory_space<vmem>>, vector<1x16xf32>,
        %parallel_loop3A_337 = vector.shape_cast %parallel_loop3A_336 : vector<1x16xf32> to vector<16xf32>
        %parallel_loop3A_338 = arith.index_cast %parallel_loop3A_306 : i32 to index
        %parallel_loop3A_339 = arith.constant 48 : index
        %parallel_loop3A_340 = tpu.vector_load %arg10[%parallel_loop3A_338, %parallel_loop3A_339] {strides = array<i32>} : memref<200x64xf32, #tpu.memory_space<vmem>>, vector<1x16xf32>,
        %parallel_loop3A_341 = vector.shape_cast %parallel_loop3A_340 : vector<1x16xf32> to vector<16xf32>
        %parallel_loop3A_342 = vector.shape_cast %parallel_loop3A_337 : vector<16xf32> to vector<1x16xf32>
        tpu.vector_store %arg10[%parallel_loop3A_338, %parallel_loop3A_339], %parallel_loop3A_342 {add = true, strides = array<i32>} : memref<200x64xf32, #tpu.memory_space<vmem>>, vector<1x16xf32>,
      } {sc.loop_unroll_factor = 4 : i64, sc.parallel_access}
      %add3A_237 = arith.addi %mul3A_2, %add3A_207 : i32
      %dma_start3A_238 = arith.constant 0 : i32
      %dma_start3A_239 = arith.constant 0 : i32
      %dma_start3A_240 = tpu.memref_slice %arg5[%add3A_237, %dma_start3A_238, %dma_start3A_239] : memref<4096x200x128xf32, #tpu.memory_space<hbm>> -> memref<1x200x64xf32, #tpu.memory_space<hbm>>
      %dma_start3A_241 = tpu.memref_squeeze %dma_start3A_240 : memref<1x200x64xf32, #tpu.memory_space<hbm>> -> memref<200x64xf32, #tpu.memory_space<hbm>>
      %dma_start3A_242 = arith.constant 0 : i32
      %dma_start3A_243 = arith.constant 0 : i32
      %dma_start3A_244 = tpu.memref_slice %arg5[%add3A_237, %dma_start3A_242, %dma_start3A_243] : memref<4096x200x128xf32, #tpu.memory_space<hbm>> -> memref<1x200x64xf32, #tpu.memory_space<hbm>>
      %dma_start3A_245 = tpu.memref_squeeze %dma_start3A_244 : memref<1x200x64xf32, #tpu.memory_space<hbm>> -> memref<200x64xf32, #tpu.memory_space<hbm>>
      tpu.enqueue_dma source(%arg10 : memref<200x64xf32, #tpu.memory_space<vmem>>) target(%dma_start3A_245 : memref<200x64xf32, #tpu.memory_space<hbm>>) target_semaphore(%arg18 : memref<!tpu.dma_semaphore, #tpu.memory_space<semaphore_mem>>)
      %add3A_246 = arith.constant 4 : i32
      %add3A_247 = arith.addi %add3A_207, %add3A_246 : i32
      %sub3A_248 = arith.constant 1 : i32
      %sub3A_249 = arith.subi %add3A_247, %sub3A_248 : i32
      %lt3A_250 = arith.constant 128 : i32
      %lt3A_251 = arith.cmpi slt, %sub3A_249, %lt3A_250 : i32
      %convert_element_type3A_252 = arith.extui %lt3A_251 : i1 to i32
      %cond3A_253 = arith.constant 0 : i32
      %cond3A_254 = arith.cmpi ne, %convert_element_type3A_252, %cond3A_253 : i32
      scf.if %cond3A_254 {
        %ge3A = arith.constant 1 : i32
        %ge3A_306 = arith.cmpi sge, %add3A_207, %ge3A : i32
        %convert_element_type3A_307 = arith.extui %ge3A_306 : i1 to i32
        %cond3A_308 = arith.constant 0 : i32
        %cond3A_309 = arith.cmpi ne, %convert_element_type3A_307, %cond3A_308 : i32
        scf.if %cond3A_309 {
          %sub3A_336 = arith.constant 1 : i32
          %sub3A_337 = arith.subi %add3A_207, %sub3A_336 : i32
          %add3A_338 = arith.addi %mul3A_2, %sub3A_337 : i32
          %dma_wait3A_339 = arith.constant 0 : i32
          %dma_wait3A_340 = arith.constant 0 : i32
          %dma_wait3A_341 = tpu.memref_slice %arg5[%add3A_338, %dma_wait3A_339, %dma_wait3A_340] : memref<4096x200x128xf32, #tpu.memory_space<hbm>> -> memref<1x200x64xf32, #tpu.memory_space<hbm>>
          %dma_wait3A_342 = tpu.memref_squeeze %dma_wait3A_341 : memref<1x200x64xf32, #tpu.memory_space<hbm>> -> memref<200x64xf32, #tpu.memory_space<hbm>>
          %dma_wait3A_343 = arith.constant 0 : i32
          %dma_wait3A_344 = arith.constant 0 : i32
          %dma_wait3A_345 = tpu.memref_slice %arg5[%add3A_338, %dma_wait3A_343, %dma_wait3A_344] : memref<4096x200x128xf32, #tpu.memory_space<hbm>> -> memref<1x200x64xf32, #tpu.memory_space<hbm>>
          %dma_wait3A_346 = tpu.memref_squeeze %dma_wait3A_345 : memref<1x200x64xf32, #tpu.memory_space<hbm>> -> memref<200x64xf32, #tpu.memory_space<hbm>>
          tpu.wait_dma2 semaphore(%arg17 : memref<!tpu.dma_semaphore, #tpu.memory_space<semaphore_mem>>) src(%arg9 : memref<200x64xf32, #tpu.memory_space<vmem>>) dst(%dma_wait3A_346 : memref<200x64xf32, #tpu.memory_space<hbm>>)
        } else {
        }
        %mul3A_310 = arith.constant 2 : i32
        %mul3A_311 = arith.muli %mul3A_310, %sub3A_249 : i32
        %add3A_312 = arith.constant 0 : i32
        %add3A_313 = arith.addi %mul3A_311, %add3A_312 : i32
        %mul3A_314 = arith.constant 2 : i32
        %mul3A_315 = arith.muli %mul3A_314, %sub3A_249 : i32
        %add3A_316 = arith.constant 1 : i32
        %add3A_317 = arith.addi %mul3A_315, %add3A_316 : i32
        %dma_start3A_318 = arith.constant 0 : i32
        %dma_start3A_319 = arith.constant 0 : i32
        %dma_start3A_320 = tpu.memref_slice %arg9[%dma_start3A_318, %dma_start3A_319] : memref<200x64xf32, #tpu.memory_space<vmem>> -> memref<100x64xf32, #tpu.memory_space<vmem>>
        %dma_start3A_321 = arith.constant 0 : i32
        %dma_start3A_322 = tpu.memref_slice %arg6[%add3A_313, %dma_start3A_321] : memref<256x100xi32, #tpu.memory_space<vmem>> -> memref<1x100xi32, #tpu.memory_space<vmem>>
        %dma_start3A_323 = tpu.memref_squeeze %dma_start3A_322 : memref<1x100xi32, #tpu.memory_space<vmem>> -> memref<100xi32, #tpu.memory_space<vmem>>
        %dma_start3A_324 = arith.constant 0 : i32
        %dma_start3A_325 = arith.constant 0 : i32
        %dma_start3A_326 = tpu.memref_slice %arg3[%dma_start3A_324, %dma_start3A_325] : memref<100000x64xf32, #tpu.memory_space<hbm>> -> memref<100000x64xf32, #tpu.memory_space<hbm>>
        tpu.enqueue_indirect_dma source(%dma_start3A_326 : memref<100000x64xf32, #tpu.memory_space<hbm>>) target(%dma_start3A_320 : memref<100x64xf32, #tpu.memory_space<vmem>>) offsets(%dma_start3A_323 : memref<100xi32, #tpu.memory_space<vmem>>) semaphore(%arg13 : memref<!tpu.dma_semaphore, #tpu.memory_space<semaphore_mem>>)
        %dma_start3A_327 = arith.constant 100 : i32
        %dma_start3A_328 = arith.constant 0 : i32
        %dma_start3A_329 = tpu.memref_slice %arg9[%dma_start3A_327, %dma_start3A_328] : memref<200x64xf32, #tpu.memory_space<vmem>> -> memref<100x64xf32, #tpu.memory_space<vmem>>
        %dma_start3A_330 = arith.constant 0 : i32
        %dma_start3A_331 = tpu.memref_slice %arg6[%add3A_317, %dma_start3A_330] : memref<256x100xi32, #tpu.memory_space<vmem>> -> memref<1x100xi32, #tpu.memory_space<vmem>>
        %dma_start3A_332 = tpu.memref_squeeze %dma_start3A_331 : memref<1x100xi32, #tpu.memory_space<vmem>> -> memref<100xi32, #tpu.memory_space<vmem>>
        %dma_start3A_333 = arith.constant 0 : i32
        %dma_start3A_334 = arith.constant 0 : i32
        %dma_start3A_335 = tpu.memref_slice %arg3[%dma_start3A_333, %dma_start3A_334] : memref<100000x64xf32, #tpu.memory_space<hbm>> -> memref<100000x64xf32, #tpu.memory_space<hbm>>
        tpu.enqueue_indirect_dma source(%dma_start3A_335 : memref<100000x64xf32, #tpu.memory_space<hbm>>) target(%dma_start3A_329 : memref<100x64xf32, #tpu.memory_space<vmem>>) offsets(%dma_start3A_332 : memref<100xi32, #tpu.memory_space<vmem>>) semaphore(%arg13 : memref<!tpu.dma_semaphore, #tpu.memory_space<semaphore_mem>>)
      } else {
      }
      %mul3A_255 = arith.constant 4 : i32
      %mul3A_256 = arith.muli %scan3A_106, %mul3A_255 : i32
      %add3A_257 = arith.constant 3 : i32
      %add3A_258 = arith.addi %mul3A_256, %add3A_257 : i32
      %mul3A_259 = arith.constant 2 : i32
      %mul3A_260 = arith.muli %mul3A_259, %add3A_258 : i32
      %add3A_261 = arith.constant 0 : i32
      %add3A_262 = arith.addi %mul3A_260, %add3A_261 : i32
      %mul3A_263 = arith.constant 2 : i32
      %mul3A_264 = arith.muli %mul3A_263, %add3A_258 : i32
      %add3A_265 = arith.constant 1 : i32
      %add3A_266 = arith.addi %mul3A_264, %add3A_265 : i32
      %dma_wait3A_267 = arith.constant 0 : i32
      %dma_wait3A_268 = arith.constant 0 : i32
      %dma_wait3A_269 = tpu.memref_slice %arg11[%dma_wait3A_267, %dma_wait3A_268] : memref<200x64xf32, #tpu.memory_space<vmem>> -> memref<100x64xf32, #tpu.memory_space<vmem>>
      %dma_wait3A_270 = arith.constant 0 : i32
      %dma_wait3A_271 = tpu.memref_slice %arg6[%add3A_262, %dma_wait3A_270] : memref<256x100xi32, #tpu.memory_space<vmem>> -> memref<1x100xi32, #tpu.memory_space<vmem>>
      %dma_wait3A_272 = tpu.memref_squeeze %dma_wait3A_271 : memref<1x100xi32, #tpu.memory_space<vmem>> -> memref<100xi32, #tpu.memory_space<vmem>>
      %dma_wait3A_273 = arith.constant 0 : i32
      %dma_wait3A_274 = arith.constant 0 : i32
      %dma_wait3A_275 = tpu.memref_slice %arg3[%dma_wait3A_273, %dma_wait3A_274] : memref<100000x64xf32, #tpu.memory_space<hbm>> -> memref<100000x64xf32, #tpu.memory_space<hbm>>
      tpu.wait_indirect_dma semaphore(%arg15 : memref<!tpu.dma_semaphore, #tpu.memory_space<semaphore_mem>>) src(%dma_wait3A_275 : memref<100000x64xf32, #tpu.memory_space<hbm>>) dst(%dma_wait3A_269 : memref<100x64xf32, #tpu.memory_space<vmem>>)
      %dma_wait3A_276 = arith.constant 100 : i32
      %dma_wait3A_277 = arith.constant 0 : i32
      %dma_wait3A_278 = tpu.memref_slice %arg11[%dma_wait3A_276, %dma_wait3A_277] : memref<200x64xf32, #tpu.memory_space<vmem>> -> memref<100x64xf32, #tpu.memory_space<vmem>>
      %dma_wait3A_279 = arith.constant 0 : i32
      %dma_wait3A_280 = tpu.memref_slice %arg6[%add3A_266, %dma_wait3A_279] : memref<256x100xi32, #tpu.memory_space<vmem>> -> memref<1x100xi32, #tpu.memory_space<vmem>>
      %dma_wait3A_281 = tpu.memref_squeeze %dma_wait3A_280 : memref<1x100xi32, #tpu.memory_space<vmem>> -> memref<100xi32, #tpu.memory_space<vmem>>
      %dma_wait3A_282 = arith.constant 0 : i32
      %dma_wait3A_283 = arith.constant 0 : i32
      %dma_wait3A_284 = tpu.memref_slice %arg3[%dma_wait3A_282, %dma_wait3A_283] : memref<100000x64xf32, #tpu.memory_space<hbm>> -> memref<100000x64xf32, #tpu.memory_space<hbm>>
      tpu.wait_indirect_dma semaphore(%arg15 : memref<!tpu.dma_semaphore, #tpu.memory_space<semaphore_mem>>) src(%dma_wait3A_284 : memref<100000x64xf32, #tpu.memory_space<hbm>>) dst(%dma_wait3A_278 : memref<100x64xf32, #tpu.memory_space<vmem>>)
      %parallel_loop3A_285 = arith.constant 0 : i32
      %parallel_loop3A_286 = arith.constant 200 : i32
      %parallel_loop3A_287 = arith.constant 1 : i32
      scf.for %parallel_loop3A_306 = %parallel_loop3A_285 to %parallel_loop3A_286 step %parallel_loop3A_287  : i32 {
        %parallel_loop3A_307 = arith.index_cast %parallel_loop3A_306 : i32 to index
        %parallel_loop3A_308 = arith.constant 0 : index
        %parallel_loop3A_309 = tpu.vector_load %arg7[%parallel_loop3A_307, %parallel_loop3A_308] {strides = array<i32>} : memref<200x64xf32, #tpu.memory_space<vmem>>, vector<1x16xf32>,
        %parallel_loop3A_310 = vector.shape_cast %parallel_loop3A_309 : vector<1x16xf32> to vector<16xf32>
        %parallel_loop3A_311 = arith.index_cast %parallel_loop3A_306 : i32 to index
        %parallel_loop3A_312 = arith.constant 0 : index
        %parallel_loop3A_313 = tpu.vector_load %arg11[%parallel_loop3A_311, %parallel_loop3A_312] {strides = array<i32>} : memref<200x64xf32, #tpu.memory_space<vmem>>, vector<1x16xf32>,
        %parallel_loop3A_314 = vector.shape_cast %parallel_loop3A_313 : vector<1x16xf32> to vector<16xf32>
        %parallel_loop3A_315 = vector.shape_cast %parallel_loop3A_310 : vector<16xf32> to vector<1x16xf32>
        tpu.vector_store %arg11[%parallel_loop3A_311, %parallel_loop3A_312], %parallel_loop3A_315 {add = true, strides = array<i32>} : memref<200x64xf32, #tpu.memory_space<vmem>>, vector<1x16xf32>,
        %parallel_loop3A_316 = arith.index_cast %parallel_loop3A_306 : i32 to index
        %parallel_loop3A_317 = arith.constant 16 : index
        %parallel_loop3A_318 = tpu.vector_load %arg7[%parallel_loop3A_316, %parallel_loop3A_317] {strides = array<i32>} : memref<200x64xf32, #tpu.memory_space<vmem>>, vector<1x16xf32>,
        %parallel_loop3A_319 = vector.shape_cast %parallel_loop3A_318 : vector<1x16xf32> to vector<16xf32>
        %parallel_loop3A_320 = arith.index_cast %parallel_loop3A_306 : i32 to index
        %parallel_loop3A_321 = arith.constant 16 : index
        %parallel_loop3A_322 = tpu.vector_load %arg11[%parallel_loop3A_320, %parallel_loop3A_321] {strides = array<i32>} : memref<200x64xf32, #tpu.memory_space<vmem>>, vector<1x16xf32>,
        %parallel_loop3A_323 = vector.shape_cast %parallel_loop3A_322 : vector<1x16xf32> to vector<16xf32>
        %parallel_loop3A_324 = vector.shape_cast %parallel_loop3A_319 : vector<16xf32> to vector<1x16xf32>
        tpu.vector_store %arg11[%parallel_loop3A_320, %parallel_loop3A_321], %parallel_loop3A_324 {add = true, strides = array<i32>} : memref<200x64xf32, #tpu.memory_space<vmem>>, vector<1x16xf32>,
        %parallel_loop3A_325 = arith.index_cast %parallel_loop3A_306 : i32 to index
        %parallel_loop3A_326 = arith.constant 32 : index
        %parallel_loop3A_327 = tpu.vector_load %arg7[%parallel_loop3A_325, %parallel_loop3A_326] {strides = array<i32>} : memref<200x64xf32, #tpu.memory_space<vmem>>, vector<1x16xf32>,
        %parallel_loop3A_328 = vector.shape_cast %parallel_loop3A_327 : vector<1x16xf32> to vector<16xf32>
        %parallel_loop3A_329 = arith.index_cast %parallel_loop3A_306 : i32 to index
        %parallel_loop3A_330 = arith.constant 32 : index
        %parallel_loop3A_331 = tpu.vector_load %arg11[%parallel_loop3A_329, %parallel_loop3A_330] {strides = array<i32>} : memref<200x64xf32, #tpu.memory_space<vmem>>, vector<1x16xf32>,
        %parallel_loop3A_332 = vector.shape_cast %parallel_loop3A_331 : vector<1x16xf32> to vector<16xf32>
        %parallel_loop3A_333 = vector.shape_cast %parallel_loop3A_328 : vector<16xf32> to vector<1x16xf32>
        tpu.vector_store %arg11[%parallel_loop3A_329, %parallel_loop3A_330], %parallel_loop3A_333 {add = true, strides = array<i32>} : memref<200x64xf32, #tpu.memory_space<vmem>>, vector<1x16xf32>,
        %parallel_loop3A_334 = arith.index_cast %parallel_loop3A_306 : i32 to index
        %parallel_loop3A_335 = arith.constant 48 : index
        %parallel_loop3A_336 = tpu.vector_load %arg7[%parallel_loop3A_334, %parallel_loop3A_335] {strides = array<i32>} : memref<200x64xf32, #tpu.memory_space<vmem>>, vector<1x16xf32>,
        %parallel_loop3A_337 = vector.shape_cast %parallel_loop3A_336 : vector<1x16xf32> to vector<16xf32>
        %parallel_loop3A_338 = arith.index_cast %parallel_loop3A_306 : i32 to index
        %parallel_loop3A_339 = arith.constant 48 : index
        %parallel_loop3A_340 = tpu.vector_load %arg11[%parallel_loop3A_338, %parallel_loop3A_339] {strides = array<i32>} : memref<200x64xf32, #tpu.memory_space<vmem>>, vector<1x16xf32>,
        %parallel_loop3A_341 = vector.shape_cast %parallel_loop3A_340 : vector<1x16xf32> to vector<16xf32>
        %parallel_loop3A_342 = vector.shape_cast %parallel_loop3A_337 : vector<16xf32> to vector<1x16xf32>
        tpu.vector_store %arg11[%parallel_loop3A_338, %parallel_loop3A_339], %parallel_loop3A_342 {add = true, strides = array<i32>} : memref<200x64xf32, #tpu.memory_space<vmem>>, vector<1x16xf32>,
      } {sc.loop_unroll_factor = 4 : i64, sc.parallel_access}
      %add3A_288 = arith.addi %mul3A_2, %add3A_258 : i32
      %dma_start3A_289 = arith.constant 0 : i32
      %dma_start3A_290 = arith.constant 0 : i32
      %dma_start3A_291 = tpu.memref_slice %arg5[%add3A_288, %dma_start3A_289, %dma_start3A_290] : memref<4096x200x128xf32, #tpu.memory_space<hbm>> -> memref<1x200x64xf32, #tpu.memory_space<hbm>>
      %dma_start3A_292 = tpu.memref_squeeze %dma_start3A_291 : memref<1x200x64xf32, #tpu.memory_space<hbm>> -> memref<200x64xf32, #tpu.memory_space<hbm>>
      %dma_start3A_293 = arith.constant 0 : i32
      %dma_start3A_294 = arith.constant 0 : i32
      %dma_start3A_295 = tpu.memref_slice %arg5[%add3A_288, %dma_start3A_293, %dma_start3A_294] : memref<4096x200x128xf32, #tpu.memory_space<hbm>> -> memref<1x200x64xf32, #tpu.memory_space<hbm>>
      %dma_start3A_296 = tpu.memref_squeeze %dma_start3A_295 : memref<1x200x64xf32, #tpu.memory_space<hbm>> -> memref<200x64xf32, #tpu.memory_space<hbm>>
      tpu.enqueue_dma source(%arg11 : memref<200x64xf32, #tpu.memory_space<vmem>>) target(%dma_start3A_296 : memref<200x64xf32, #tpu.memory_space<hbm>>) target_semaphore(%arg19 : memref<!tpu.dma_semaphore, #tpu.memory_space<semaphore_mem>>)
      %add3A_297 = arith.constant 4 : i32
      %add3A_298 = arith.addi %add3A_258, %add3A_297 : i32
      %sub3A_299 = arith.constant 1 : i32
      %sub3A_300 = arith.subi %add3A_298, %sub3A_299 : i32
      %lt3A_301 = arith.constant 128 : i32
      %lt3A_302 = arith.cmpi slt, %sub3A_300, %lt3A_301 : i32
      %convert_element_type3A_303 = arith.extui %lt3A_302 : i1 to i32
      %cond3A_304 = arith.constant 0 : i32
      %cond3A_305 = arith.cmpi ne, %convert_element_type3A_303, %cond3A_304 : i32
      scf.if %cond3A_305 {
        %ge3A = arith.constant 1 : i32
        %ge3A_306 = arith.cmpi sge, %add3A_258, %ge3A : i32
        %convert_element_type3A_307 = arith.extui %ge3A_306 : i1 to i32
        %cond3A_308 = arith.constant 0 : i32
        %cond3A_309 = arith.cmpi ne, %convert_element_type3A_307, %cond3A_308 : i32
        scf.if %cond3A_309 {
          %sub3A_336 = arith.constant 1 : i32
          %sub3A_337 = arith.subi %add3A_258, %sub3A_336 : i32
          %add3A_338 = arith.addi %mul3A_2, %sub3A_337 : i32
          %dma_wait3A_339 = arith.constant 0 : i32
          %dma_wait3A_340 = arith.constant 0 : i32
          %dma_wait3A_341 = tpu.memref_slice %arg5[%add3A_338, %dma_wait3A_339, %dma_wait3A_340] : memref<4096x200x128xf32, #tpu.memory_space<hbm>> -> memref<1x200x64xf32, #tpu.memory_space<hbm>>
          %dma_wait3A_342 = tpu.memref_squeeze %dma_wait3A_341 : memref<1x200x64xf32, #tpu.memory_space<hbm>> -> memref<200x64xf32, #tpu.memory_space<hbm>>
          %dma_wait3A_343 = arith.constant 0 : i32
          %dma_wait3A_344 = arith.constant 0 : i32
          %dma_wait3A_345 = tpu.memref_slice %arg5[%add3A_338, %dma_wait3A_343, %dma_wait3A_344] : memref<4096x200x128xf32, #tpu.memory_space<hbm>> -> memref<1x200x64xf32, #tpu.memory_space<hbm>>
          %dma_wait3A_346 = tpu.memref_squeeze %dma_wait3A_345 : memref<1x200x64xf32, #tpu.memory_space<hbm>> -> memref<200x64xf32, #tpu.memory_space<hbm>>
          tpu.wait_dma2 semaphore(%arg18 : memref<!tpu.dma_semaphore, #tpu.memory_space<semaphore_mem>>) src(%arg10 : memref<200x64xf32, #tpu.memory_space<vmem>>) dst(%dma_wait3A_346 : memref<200x64xf32, #tpu.memory_space<hbm>>)
        } else {
        }
        %mul3A_310 = arith.constant 2 : i32
        %mul3A_311 = arith.muli %mul3A_310, %sub3A_300 : i32
        %add3A_312 = arith.constant 0 : i32
        %add3A_313 = arith.addi %mul3A_311, %add3A_312 : i32
        %mul3A_314 = arith.constant 2 : i32
        %mul3A_315 = arith.muli %mul3A_314, %sub3A_300 : i32
        %add3A_316 = arith.constant 1 : i32
        %add3A_317 = arith.addi %mul3A_315, %add3A_316 : i32
        %dma_start3A_318 = arith.constant 0 : i32
        %dma_start3A_319 = arith.constant 0 : i32
        %dma_start3A_320 = tpu.memref_slice %arg10[%dma_start3A_318, %dma_start3A_319] : memref<200x64xf32, #tpu.memory_space<vmem>> -> memref<100x64xf32, #tpu.memory_space<vmem>>
        %dma_start3A_321 = arith.constant 0 : i32
        %dma_start3A_322 = tpu.memref_slice %arg6[%add3A_313, %dma_start3A_321] : memref<256x100xi32, #tpu.memory_space<vmem>> -> memref<1x100xi32, #tpu.memory_space<vmem>>
        %dma_start3A_323 = tpu.memref_squeeze %dma_start3A_322 : memref<1x100xi32, #tpu.memory_space<vmem>> -> memref<100xi32, #tpu.memory_space<vmem>>
        %dma_start3A_324 = arith.constant 0 : i32
        %dma_start3A_325 = arith.constant 0 : i32
        %dma_start3A_326 = tpu.memref_slice %arg3[%dma_start3A_324, %dma_start3A_325] : memref<100000x64xf32, #tpu.memory_space<hbm>> -> memref<100000x64xf32, #tpu.memory_space<hbm>>
        tpu.enqueue_indirect_dma source(%dma_start3A_326 : memref<100000x64xf32, #tpu.memory_space<hbm>>) target(%dma_start3A_320 : memref<100x64xf32, #tpu.memory_space<vmem>>) offsets(%dma_start3A_323 : memref<100xi32, #tpu.memory_space<vmem>>) semaphore(%arg14 : memref<!tpu.dma_semaphore, #tpu.memory_space<semaphore_mem>>)
        %dma_start3A_327 = arith.constant 100 : i32
        %dma_start3A_328 = arith.constant 0 : i32
        %dma_start3A_329 = tpu.memref_slice %arg10[%dma_start3A_327, %dma_start3A_328] : memref<200x64xf32, #tpu.memory_space<vmem>> -> memref<100x64xf32, #tpu.memory_space<vmem>>
        %dma_start3A_330 = arith.constant 0 : i32
        %dma_start3A_331 = tpu.memref_slice %arg6[%add3A_317, %dma_start3A_330] : memref<256x100xi32, #tpu.memory_space<vmem>> -> memref<1x100xi32, #tpu.memory_space<vmem>>
        %dma_start3A_332 = tpu.memref_squeeze %dma_start3A_331 : memref<1x100xi32, #tpu.memory_space<vmem>> -> memref<100xi32, #tpu.memory_space<vmem>>
        %dma_start3A_333 = arith.constant 0 : i32
        %dma_start3A_334 = arith.constant 0 : i32
        %dma_start3A_335 = tpu.memref_slice %arg3[%dma_start3A_333, %dma_start3A_334] : memref<100000x64xf32, #tpu.memory_space<hbm>> -> memref<100000x64xf32, #tpu.memory_space<hbm>>
        tpu.enqueue_indirect_dma source(%dma_start3A_335 : memref<100000x64xf32, #tpu.memory_space<hbm>>) target(%dma_start3A_329 : memref<100x64xf32, #tpu.memory_space<vmem>>) offsets(%dma_start3A_332 : memref<100xi32, #tpu.memory_space<vmem>>) semaphore(%arg14 : memref<!tpu.dma_semaphore, #tpu.memory_space<semaphore_mem>>)
      } else {
      }
    }
    %scan3A_66 = arith.constant 32 : i32
    %add3A_67 = arith.constant 0 : i32
    %add3A_68 = arith.addi %mul3A_2, %add3A_67 : i32
    %dma_wait3A = arith.constant 0 : i32
    %dma_wait3A_69 = arith.constant 0 : i32
    %dma_wait3A_70 = tpu.memref_slice %arg5[%add3A_68, %dma_wait3A, %dma_wait3A_69] : memref<4096x200x128xf32, #tpu.memory_space<hbm>> -> memref<1x200x64xf32, #tpu.memory_space<hbm>>
    %dma_wait3A_71 = tpu.memref_squeeze %dma_wait3A_70 : memref<1x200x64xf32, #tpu.memory_space<hbm>> -> memref<200x64xf32, #tpu.memory_space<hbm>>
    %dma_wait3A_72 = arith.constant 0 : i32
    %dma_wait3A_73 = arith.constant 0 : i32
    %dma_wait3A_74 = tpu.memref_slice %arg5[%add3A_68, %dma_wait3A_72, %dma_wait3A_73] : memref<4096x200x128xf32, #tpu.memory_space<hbm>> -> memref<1x200x64xf32, #tpu.memory_space<hbm>>
    %dma_wait3A_75 = tpu.memref_squeeze %dma_wait3A_74 : memref<1x200x64xf32, #tpu.memory_space<hbm>> -> memref<200x64xf32, #tpu.memory_space<hbm>>
    tpu.wait_dma2 semaphore(%arg16 : memref<!tpu.dma_semaphore, #tpu.memory_space<semaphore_mem>>) src(%arg8 : memref<200x64xf32, #tpu.memory_space<vmem>>) dst(%dma_wait3A_75 : memref<200x64xf32, #tpu.memory_space<hbm>>)
    %add3A_76 = arith.constant 0 : i32
    %add3A_77 = arith.addi %mul3A_2, %add3A_76 : i32
    %dma_wait3A_78 = arith.constant 0 : i32
    %dma_wait3A_79 = arith.constant 0 : i32
    %dma_wait3A_80 = tpu.memref_slice %arg5[%add3A_77, %dma_wait3A_78, %dma_wait3A_79] : memref<4096x200x128xf32, #tpu.memory_space<hbm>> -> memref<1x200x64xf32, #tpu.memory_space<hbm>>
    %dma_wait3A_81 = tpu.memref_squeeze %dma_wait3A_80 : memref<1x200x64xf32, #tpu.memory_space<hbm>> -> memref<200x64xf32, #tpu.memory_space<hbm>>
    %dma_wait3A_82 = arith.constant 0 : i32
    %dma_wait3A_83 = arith.constant 0 : i32
    %dma_wait3A_84 = tpu.memref_slice %arg5[%add3A_77, %dma_wait3A_82, %dma_wait3A_83] : memref<4096x200x128xf32, #tpu.memory_space<hbm>> -> memref<1x200x64xf32, #tpu.memory_space<hbm>>
    %dma_wait3A_85 = tpu.memref_squeeze %dma_wait3A_84 : memref<1x200x64xf32, #tpu.memory_space<hbm>> -> memref<200x64xf32, #tpu.memory_space<hbm>>
    tpu.wait_dma2 semaphore(%arg17 : memref<!tpu.dma_semaphore, #tpu.memory_space<semaphore_mem>>) src(%arg9 : memref<200x64xf32, #tpu.memory_space<vmem>>) dst(%dma_wait3A_85 : memref<200x64xf32, #tpu.memory_space<hbm>>)
    %add3A_86 = arith.constant 0 : i32
    %add3A_87 = arith.addi %mul3A_2, %add3A_86 : i32
    %dma_wait3A_88 = arith.constant 0 : i32
    %dma_wait3A_89 = arith.constant 0 : i32
    %dma_wait3A_90 = tpu.memref_slice %arg5[%add3A_87, %dma_wait3A_88, %dma_wait3A_89] : memref<4096x200x128xf32, #tpu.memory_space<hbm>> -> memref<1x200x64xf32, #tpu.memory_space<hbm>>
    %dma_wait3A_91 = tpu.memref_squeeze %dma_wait3A_90 : memref<1x200x64xf32, #tpu.memory_space<hbm>> -> memref<200x64xf32, #tpu.memory_space<hbm>>
    %dma_wait3A_92 = arith.constant 0 : i32
    %dma_wait3A_93 = arith.constant 0 : i32
    %dma_wait3A_94 = tpu.memref_slice %arg5[%add3A_87, %dma_wait3A_92, %dma_wait3A_93] : memref<4096x200x128xf32, #tpu.memory_space<hbm>> -> memref<1x200x64xf32, #tpu.memory_space<hbm>>
    %dma_wait3A_95 = tpu.memref_squeeze %dma_wait3A_94 : memref<1x200x64xf32, #tpu.memory_space<hbm>> -> memref<200x64xf32, #tpu.memory_space<hbm>>
    tpu.wait_dma2 semaphore(%arg18 : memref<!tpu.dma_semaphore, #tpu.memory_space<semaphore_mem>>) src(%arg10 : memref<200x64xf32, #tpu.memory_space<vmem>>) dst(%dma_wait3A_95 : memref<200x64xf32, #tpu.memory_space<hbm>>)
    %add3A_96 = arith.constant 0 : i32
    %add3A_97 = arith.addi %mul3A_2, %add3A_96 : i32
    %dma_wait3A_98 = arith.constant 0 : i32
    %dma_wait3A_99 = arith.constant 0 : i32
    %dma_wait3A_100 = tpu.memref_slice %arg5[%add3A_97, %dma_wait3A_98, %dma_wait3A_99] : memref<4096x200x128xf32, #tpu.memory_space<hbm>> -> memref<1x200x64xf32, #tpu.memory_space<hbm>>
    %dma_wait3A_101 = tpu.memref_squeeze %dma_wait3A_100 : memref<1x200x64xf32, #tpu.memory_space<hbm>> -> memref<200x64xf32, #tpu.memory_space<hbm>>
    %dma_wait3A_102 = arith.constant 0 : i32
    %dma_wait3A_103 = arith.constant 0 : i32
    %dma_wait3A_104 = tpu.memref_slice %arg5[%add3A_97, %dma_wait3A_102, %dma_wait3A_103] : memref<4096x200x128xf32, #tpu.memory_space<hbm>> -> memref<1x200x64xf32, #tpu.memory_space<hbm>>
    %dma_wait3A_105 = tpu.memref_squeeze %dma_wait3A_104 : memref<1x200x64xf32, #tpu.memory_space<hbm>> -> memref<200x64xf32, #tpu.memory_space<hbm>>
    tpu.wait_dma2 semaphore(%arg19 : memref<!tpu.dma_semaphore, #tpu.memory_space<semaphore_mem>>) src(%arg11 : memref<200x64xf32, #tpu.memory_space<vmem>>) dst(%dma_wait3A_105 : memref<200x64xf32, #tpu.memory_space<hbm>>)
    return
  }
}

</mosaic_0001>

<sc_bundles>
// kernel: kernel.3.cloned.1.call-start
scs
__scs_entry_jumppad:
0x0: {  	(pc) =	sbr.rel $0x88, $3  }
0x1: {  	(tag) =	ssettag $0x0;
	lr =	simm.s32 $0x1  }
0x2: {  	[smem:$0x3F9E] =	sst lr;
	_ =	strace $0xD0000000  }
0x3: {  	_ = 	snop  }
0x4: {  	_ = 	snop  }
0x5: {  	_ = 	snop  }
0x6: {  	_ = 	snop  }
0x7: {  	_ = 	snop  }
__scs_overlays_trampoline_lowered:
0x8: {  	[smem:$0x3FAD] =	sst s0  }
0x9: {  	[smem:$0x3FAE] =	sst s1  }
0xa: {  	[smem:$0x3FAF] =	sst s2  }
0xb: {  	[smem:$0x3FB0] =	sst s3  }
0xc: {  	[smem:$0x3FB1] =	sst s4  }
0xd: {  	[smem:$0x3FB2] =	sst s5  }
0xe: {  	[smem:$0x3FB3] =	sst s6  }
0xf: {  	[smem:$0x3FB4] =	sst s7  }
0x10: {  	[smem:$0x3FB5] =	sst s8  }
0x11: {  	[smem:$0x3FB6] =	sst s9;
	s0 =	simm.s32 @!p0 $0x0  }
0x12: {  	s1 =	sld [smem:$0x3F9C];
	s0 =	simm.s32 @p0 $0x1  }
0x13: {  	[smem:$0x3FB7] =	sst s0;
	s0 =	simm.s32 @!p1 $0x0  }
0x14: {  	s2 =	sld [smem:$0x3F9B];
	s0 =	simm.s32 @p1 $0x1  }
0x15: {  	[smem:$0x3FB8] =	sst s0;
	s0 =	simm.s32 @!p2 $0x0  }
0x16: {  	s3 =	sld [smem:$0x3FDB];
	s0 =	simm.s32 @p2 $0x1  }
0x17: {  	s4 =	simm.s32 $0x1BF5;
	[smem:$0x3FBA] =	sst s0  }
0x18: {  	s0 =	sld [smem:$0x3F9D];
	_ =	swait.ge [sflag:s4], $0x0  }
0x19: {  	s7 =	sld [smem:$0x3F9E]  }
0x1a: {  	s8 =	sadd.s32 $0xFFFFE003, lr  }
0x1b: {  	s9 =	sadd.s32 $0xFFFFFEF7, lr;
	s5 =	simm.s32 $0xFFFFFFFF;
	p2 =	slt.u32 s8, $0xFFFFF086  }
0x1c: {  	p1 =	slt.u32 s9, $0xF7A;
	s5 =	simm.s32 @!p2 $0x0  }
0x1d: {  	s5 =	simm.s32 @p1 $0x1;
	p0 =	seq.s32 s7, s2  }
0x1e: {  	s7 =	smul.u32 @!p0 $0xF7A, s2;
	p2 =	seq.s32 @!p0 s5, $0x0  }
0x1f: {  	s9 =	smul.u32 $0xF7A, s1;
	s8 =	simm.s32 @!p0 $0x1BF5;
	p2 =	por !p2, p0  }
0x20: {  	[sflag:s8] =	ssyncset.s32 @!p0 $0xFFFFF086;
	s6 =	sadd.s32 @!p0 s3, s7;
	s7 =	simm.s32 @!p0 $0x108  }
0x21: {  	s3 =	sadd.s32 s3, s9;
	s6 =	sadd.s32 @!p0 $0x88, s6;
	s7 =	simm.s32 @p2 $0x1082  }
0x22: {  	[simem:s7], [sflag:s8] =	dma.local @!p0 [hbm:s6], $0xF7A  }
0x23: {  	s9 =	sor.u32 $0xD0000000, s2;
	s6 =	simm.s32 $0x108;
	_ =	swait.ge @!p0 [sflag:s8], $0x0  }
0x24: {  	s3 =	sadd.s32 $0x88, s3;
	s6 =	simm.s32 @!p1 $0x1082;
	[sflag:s4] =	ssyncset.s32 $0xFFFFF086  }
0x25: {  	[simem:s6], [sflag:s4] =	dma.local [hbm:s3], $0xF7A  }
0x26: {  	[smem:$0x3F9E] =	sst s1;
	(tag) =	ssettag s2;
	_ =	strace s9  }
0x27: {  	s1 =	sld [smem:$0x3FAE]  }
0x28: {  	s2 =	sld [smem:$0x3FAF]  }
0x29: {  	s4 =	sld [smem:$0x3FB1]  }
0x2a: {  	p0 =	seq.s32 s5, $0x0;
	s5 =	sld [smem:$0x3FB2]  }
0x2b: {  	s6 =	sld [smem:$0x3FB3]  }
0x2c: {  	s7 =	sld [smem:$0x3FB4]  }
0x2d: {  	s3 =	simm.s32 $0x108;
	s8 =	sld [smem:$0x3FB5]  }
0x2e: {  	s3 =	simm.s32 @!p0 $0x1082;
	s9 =	sld [smem:$0x3FB6]  }
0x2f: {  	lr =	sadd.s32 s0, s3;
	s0 =	sld [smem:$0x3FAD]  }
0x30: {  	s3 =	sld [smem:$0x3FB0]  }
0x31: {  	[smem:$0x3FB9] =	sst s10  }
0x32: {  	s10 =	sld [smem:$0x3FB7];
	_ =	sdelay $0x3  }
0x33: {  	p0 =	seq.s32 s10, $0x1;
	s10 =	sld [smem:$0x3FB9];
	_ =	sdelay $0x3  }
0x34: {  	[smem:$0x3FB9] =	sst s10  }
0x35: {  	s10 =	sld [smem:$0x3FB8];
	_ =	sdelay $0x3  }
0x36: {  	p1 =	seq.s32 s10, $0x1;
	s10 =	sld [smem:$0x3FB9];
	_ =	sdelay $0x3  }
0x37: {  	[smem:$0x3FB9] =	sst s10  }
0x38: {  	s10 =	sld [smem:$0x3FBA]  }
0x39: {  	_ = 	snop;
	(pc) =	sbr.ind lr, $3  }
0x3a: {  	_ = 	snop  }
0x3b: {  	_ = 	snop  }
0x3c: {  	p2 =	seq.s32 s10, $0x1;
	s10 =	sld [smem:$0x3FB9]  }
0x3d: {  	_ =	shalt  }
0x3e: {  	_ =	shalt  }
0x3f: {  	_ =	shalt  }
0x40: {  	_ =	shalt  }
0x41: {  	_ =	shalt  }
0x42: {  	_ =	shalt  }
0x43: {  	_ =	shalt  }
0x44: {  	_ =	shalt  }
0x45: {  	_ =	shalt  }
0x46: {  	_ =	shalt  }
0x47: {  	_ =	shalt  }
0x48: {  	_ =	shalt  }
0x49: {  	_ =	shalt  }
0x4a: {  	_ =	shalt  }
0x4b: {  	_ =	shalt  }
0x4c: {  	_ =	shalt  }
0x4d: {  	_ =	shalt  }
0x4e: {  	_ =	shalt  }
0x4f: {  	_ =	shalt  }
0x50: {  	_ =	shalt  }
0x51: {  	_ =	shalt  }
0x52: {  	_ =	shalt  }
0x53: {  	_ =	shalt  }
0x54: {  	_ =	shalt  }
0x55: {  	_ =	shalt  }
0x56: {  	_ =	shalt  }
0x57: {  	_ =	shalt  }
0x58: {  	_ =	shalt  }
0x59: {  	_ =	shalt  }
0x5a: {  	_ =	shalt  }
0x5b: {  	_ =	shalt  }
0x5c: {  	_ =	shalt  }
0x5d: {  	_ =	shalt  }
0x5e: {  	_ =	shalt  }
0x5f: {  	_ =	shalt  }
0x60: {  	_ =	shalt  }
0x61: {  	_ =	shalt  }
0x62: {  	_ =	shalt  }
0x63: {  	_ =	shalt  }
0x64: {  	_ =	shalt  }
0x65: {  	_ =	shalt  }
0x66: {  	_ =	shalt  }
0x67: {  	_ =	shalt  }
0x68: {  	_ =	shalt  }
0x69: {  	_ =	shalt  }
0x6a: {  	_ =	shalt  }
0x6b: {  	_ =	shalt  }
0x6c: {  	_ =	shalt  }
0x6d: {  	_ =	shalt  }
0x6e: {  	_ =	shalt  }
0x6f: {  	_ =	shalt  }
0x70: {  	_ =	shalt  }
0x71: {  	_ =	shalt  }
0x72: {  	_ =	shalt  }
0x73: {  	_ =	shalt  }
0x74: {  	_ =	shalt  }
0x75: {  	_ =	shalt  }
0x76: {  	_ =	shalt  }
0x77: {  	_ =	shalt  }
0x78: {  	_ =	shalt  }
0x79: {  	_ =	shalt  }
0x7a: {  	_ =	shalt  }
0x7b: {  	_ =	shalt  }
0x7c: {  	_ =	shalt  }
0x7d: {  	_ =	shalt  }
0x7e: {  	_ =	shalt  }
0x7f: {  	_ =	shalt  }
0x80: {  	_ =	shalt  }
0x81: {  	_ =	shalt  }
0x82: {  	_ =	shalt  }
0x83: {  	_ =	shalt  }
0x84: {  	_ =	shalt  }
0x85: {  	_ =	shalt  }
0x86: {  	_ =	shalt  }
0x87: {  	_ =	shalt  }
.Lfunc_end0:
.L_simem_size_0:
called_computation.1_lowered:
.L_overlay_start_0:
0x88: {  	s2 =	sld [smem:$0x3FD9]  }
0x89: {  	s3 =	sld [smem:$0x3FFE];
	_ =	sdelay $0x1  }
0x8a: {  	s1 =	srdreg.scid  }
0x8b: {  	s0 =	sand.u32 $0x1, s1  }
0x8c: {  	s16 =	sshll.u32 s0, $0xA;
	s2 =	sadd.s32 s3, s2  }
0x8d: {  	s2 =	sadd.s32 s2, s16  }
0x8e: {  	[smem:$0x3FC5] =	sst s2  }
0x8f: {  	_ = 	snop  }
0x90: {  	(tm) =	ssettm $0x1  }
0x91: {  	s17 =	sld [smem:$0x3FFB];
	_ =	sdelay $0x3  }
0x92: {  	_ =	strace s17  }
0x93: {  	s2 =	sld [smem:$0x3FFC];
	_ =	sdelay $0x3  }
0x94: {  	_ =	strace s2  }
0x95: {  	s2 =	sld [smem:$0x3FFD];
	_ =	sdelay $0x3  }
0x96: {  	_ =	strace s2  }
0x97: {  	_ =	strace $0x8FFFFFFF  }
0x98: {  	s18 =	sld [smem:$0x3FDB];
	_ =	sdelay $0x1  }
0x99: {  	s19 =	simm.s32 $_scs_section_size  }
0x9a: {  	s4 =	simm.s32 $_size__tile_overlayer_lowered;
	s5 =	simm.s32 $_tile_overlayer_lowered  }
0x9b: {  	s22 =	simm.s32 $0x1BFF;
	s21 =	sshll.u32 s5, $0x1;
	s2 =	sadd.s32 s19, s18  }
0x9c: {  	s6 =	simm.s32 $0x0;
	s20 =	sshll.u32 s4, $0x1;
	s4 =	sadd.s32 s21, s2  }
0x9d: {  	[timem:s6], [sflag:s22] =	dma.local [hbm:s4], s20  }
0x9e: {  	_ =	swait.ge [sflag:s22], s20  }
0x9f: {  	s3 =	ssub.s32 $0x0, s20;
	[sflag:s22] =	ssyncset.done $0x0  }
0xa0: {  	[sflag:s22] =	ssyncadd.s32 s3;
	_ =	sdelay $0x1  }
0xa1: {  	s23 =	simm.s32 $0x1B8B  }
0xa2: {  	_ =	swait.ge [sflag:s23], $0x1  }
0xa3: {  	[sflag:s23] =	ssyncset.done $0x0  }
0xa4: {  	s25 =	simm.s32 $0x1B8E;
	s24 =	sld [smem:$0x3FFE];
	[sflag:s23] =	ssyncadd.s32 $0xFFFFFFFF  }
0xa5: {  	s26 =	simm.s32 $execute0_lowered;
	[smem:$0x3FD2] =	sst s25  }
0xa6: {  	s4 =	sshll.u32 s26, $0x1;
	_ =	strace $0x80000046;
	[dreg:$0x1] =	wrdreg $0xFFFFFFFF  }
0xa7: {  	s28 =	simm.s32 $_size_execute0_lowered;
	s2 =	sadd.s32 s2, s4;
	[dreg:$0x0] =	wrdreg $0x0  }
0xa8: {  	s4 =	sshll.u32 s28, $0x1;
	[dreg:$0x2] =	wrdreg s2  }
0xa9: {  	[dreg:$0x3] =	wrdreg s4  }
0xaa: {  	[dreg:$0x4] =	wrdreg $0xC0  }
0xab: {  	_ =	task [dreg:s6], $0x5FFFF  }
0xac: {  	[dreg:$0x1] =	wrdreg $0xFFFFFFFF  }
0xad: {  	[dreg:$0x0] =	wrdreg $0x60  }
0xae: {  	[dreg:$0x2] =	wrdreg s24  }
0xaf: {  	[dreg:$0x3] =	wrdreg $0x9  }
0xb0: {  	_ =	task.clear_ibuf [dreg:s6], $0x4FFFF;
	_ =	strace $0x90000046  }
0xb1: {  	s29 =	simm.s32 $0x9;
	_ =	strace $0x80000048  }
0xb2: {  	_ =	swait.ge [sflag:s29], $0x1  }
0xb3: {  	[sflag:s29] =	ssyncadd.s32 $0xFFFFFFFF  }
0xb4: {  	_ =	strace $0x90000048  }
0xb5: {  	_ =	sfence  }
0xb6: {  	s30 =	sld [smem:$0x0];
	_ =	sdelay $0x2  }
0xb7: {  	s31 =	sshll.u32 s1, $0xD;
	s1 =	sshrl.u32 s1, $0x2  }
0xb8: {  	s3 =	sand.u32 $0x4000, s31;
	s1 =	sadd.s32 s1, s30  }
0xb9: {  	s0 =	sor.u32 s3, s0;
	s1 =	sshll.u32 s1, $0x11  }
0xba: {  	s0 =	sor.u32 s1, s0  }
0xbb: {  	s0 =	sadd.s32 $0x8F2B, s0  }
0xbc: {  	[sflag:s0] =	ssyncadd.remote.s32 $0x1  }
0xbd: {  	_ =	sfence.sel $0xFFFF  }
0xbe: {  	[dreg:$0x0] =	wrdreg $0xFFFFFFFF;
	(pc) =	sbr.abs _section_cstart, $3  }
0xbf: {  	[dreg:$0x1] =	wrdreg $0xFFFFFFFF  }
0xc0: {  	_ =	task.clear_ibuf [dreg:s6], $0x2FFFF;
	_ =	strace $0x9FFFFFFF  }
0xc1: {  	(tm) =	ssettm $0x7FFFFFFF  }
tec
execute0_lowered:
.L_overlay_start_1:
0x0: {  	(tag) =	ssettag $0x1  }
0x1: {  	s0 =	srdreg.scid  }
0x2: {  	s2 =	stileid.u32;
	s1 =	rddreg [dreg:$0x0]  }
0x3: {  	s10 =	simm.s32 $0x9;
	s11 =	simm.s32 $0x64;
	s12 =	simm.s32 $0x9A00  }
0x4: {  	s16 =	simm.s32 $0xCC00;
	s20 =	simm.s32 $0xFE00;
	s22 =	simm.s32 $0x11700  }
0x5: {  	s23 =	simm.s32 $0x1;
	s24 =	simm.s32 $0x40;
	s25 =	simm.s32 $0x80  }
0x6: {  	s28 =	simm.s32 $0x14900;
	s29 =	simm.s32 $0x2;
	s30 =	simm.s32 $0x3  }
0x7: {  	s31 =	simm.s32 $0x4;
	s9 =	simm.s32 $0x7;
	s13 =	simm.s32 $0x8  }
0x8: {  	s14 =	simm.s32 $0x0;
	s0 =	sand.u32 $0x1, s0;
	s3 =	sshll.u32 s2, $0x1  }
0x9: {  	s2 =	simm.s32 $0x0;
	s5 =	sadd.s32 $0xA00, s1;
	s4 =	sor.u32 s0, s3  }
0xa: {  	[smem:$0x7FF] =	sst s2;
	s0 =	ssub.s32 $0x2, s0;
	s3 =	smul.u32 $0xD00, s4  }
.Ltmp0:
0xb: {  	_ =	strace $0x80000047;
	s6 =	sshrl.u32 s0, $0x1;
	(pc) =	sbr.rel .LBB2_1-.Ltmp0, $4  }
0xc: {  	[dreg:$0x2] =	wrdreg s5;
	s5 =	sadd.s32 $0xDE800, s1;
	s0 =	ssub.s32 s0, s6  }
0xd: {  	s6 =	sshll.u32 s4, $0x7;
	s7 =	sadd.s32 s3, s1;
	s3 =	sadd.s32 $0x1B200, s1  }
0xe: {  	s8 =	smax.u32 s0, $0x1;
	s1 =	simm.s32 $0x5;
	s26 =	sadd.s32 $0x1200, s7  }
0xf: {  	s0 =	simm.s32 $0x6;
	[dreg:$0x3] =	wrdreg s26;
	s26 =	simm.s32 $0x13000  }
.LBB2_12:
0x10: {  	_ =	swait.ge [sflag:s1], $0x3200  }
0x11: {  	[sflag:s1] =	ssyncset.done $0x0  }
0x12: {  	[sflag:s1] =	ssyncadd.s32 $0xFFFFCE00  }
0x13: {  	_ =	swait.ge [sflag:s0], $0x3200  }
0x14: {  	[sflag:s0] =	ssyncset.done $0x0  }
0x15: {  	s14 =	sadd.s32 $0x1, s14;
	[sflag:s0] =	ssyncadd.s32 $0xFFFFCE00  }
0x16: {  	p0 =	sne.s32 s14, s8;
	_ =	swait.ge [sflag:s9], $0x3200  }
.Ltmp1:
0x17: {  	[sflag:s9] =	ssyncset.done $0x0;
	(pc) =	sbr.rel @!p0 .LBB2_13-.Ltmp1, $4  }
0x18: {  	[sflag:s9] =	ssyncadd.s32 $0xFFFFCE00  }
0x19: {  	_ =	swait.ge [sflag:s13], $0x3200  }
0x1a: {  	[sflag:s13] =	ssyncset.done $0x0  }
0x1b: {  	[sflag:s13] =	ssyncadd.s32 $0xFFFFCE00  }
.LBB2_1:
0x1c: {  	s4 =	rddreg [dreg:$0x2];
	s7 =	simm.s32 $0x6800  }
0x1d: {  	[tilespmem:s7], [sflag:$0x9] =	stream.linear.gather [hbm4b:s4+s2], $0x3200, $0x38;
	[tilespmem:$0x16200] =	vst v63  }
0x1e: {  	_ =	swait.ge [sflag:s10], $0x3200  }
0x1f: {  	[sflag:s10] =	ssyncset.done $0x0  }
0x20: {  	s18 =	rddreg [dreg:$0x3];
	[sflag:s10] =	ssyncadd.s32 $0xFFFFCE00  }
0x21: {  	[tilespmem:s2], [sflag:$0x9] =	stream.linear.gather [hbm4b:s18+s2], $0x6800, $0x38;
	[tilespmem:$0x16200] =	vst v63  }
0x22: {  	_ =	swait.ge [sflag:s10], $0x6800  }
0x23: {  	[sflag:s10] =	ssyncset.done $0x0  }
0x24: {  	[sflag:s10] =	ssyncadd.s32 $0xFFFF9800  }
0x25: {  	[tilespmem:s12], [sflag:$0x1] =	stream.indirect.gather [hbm4b:s3+s11], $0x40, s2, s11, $0xb8;
	[tilespmem:$0x16200] =	vst v63  }
0x26: {  	s19 =	simm.s32 $0x68;
	s21 =	simm.s32 $0xB300  }
0x27: {  	[tilespmem:s21], [sflag:$0x1] =	stream.indirect.gather [hbm4b:s3+s11], $0x40, s19, s11, $0xb8;
	[tilespmem:$0x16200] =	vst v63  }
0x28: {  	s15 =	simm.s32 $0xD0  }
0x29: {  	[tilespmem:s16], [sflag:$0x2] =	stream.indirect.gather [hbm4b:s3+s11], $0x40, s15, s11, $0xb8;
	[tilespmem:$0x16200] =	vst v63  }
0x2a: {  	s17 =	simm.s32 $0x138;
	s18 =	simm.s32 $0xE500  }
0x2b: {  	[tilespmem:s18], [sflag:$0x2] =	stream.indirect.gather [hbm4b:s3+s11], $0x40, s17, s11, $0xb8;
	[tilespmem:$0x16200] =	vst v63  }
0x2c: {  	s19 =	simm.s32 $0x1A0  }
0x2d: {  	[tilespmem:s20], [sflag:$0x3] =	stream.indirect.gather [hbm4b:s3+s11], $0x40, s19, s11, $0xb8;
	[tilespmem:$0x16200] =	vst v63  }
0x2e: {  	s21 =	simm.s32 $0x208;
	s15 =	simm.s32 $0x0  }
0x2f: {  	[tilespmem:s22], [sflag:$0x3] =	stream.indirect.gather [hbm4b:s3+s11], $0x40, s21, s11, $0xb8;
	[tilespmem:$0x16200] =	vst v63  }
.LBB2_2:
0x30: {  	_ =	swait.ge [sflag:s23], $0x1900  }
0x31: {  	[sflag:s23] =	ssyncset.done $0x0  }
0x32: {  	[sflag:s23] =	ssyncadd.s32 $0xFFFFE700  }
0x33: {  	_ =	swait.ge [sflag:s23], $0x1900  }
0x34: {  	[sflag:s23] =	ssyncset.done $0x0  }
0x35: {  	s17 =	simm.s32 $0x0;
	[sflag:s23] =	ssyncadd.s32 $0xFFFFE700  }
0x36: {  	v0 =	vld [tilespmem:s17+$0x68F0]  }
0x37: {  	v1 =	vld [tilespmem:s17+$0x6800]  }
0x38: {  	v2 =	vld [tilespmem:s17+$0x6810]  }
0x39: {  	v3 =	vld [tilespmem:s17+$0x6820]  }
0x3a: {  	v4 =	vld [tilespmem:s17+$0x6830]  }
0x3b: {  	v5 =	vld [tilespmem:s17+$0x6840]  }
0x3c: {  	v6 =	vld [tilespmem:s17+$0x6850]  }
0x3d: {  	v7 =	vld [tilespmem:s17+$0x6860]  }
0x3e: {  	v8 =	vld [tilespmem:s17+$0x6870]  }
0x3f: {  	v9 =	vld [tilespmem:s17+$0x6880]  }
0x40: {  	v10 =	vld [tilespmem:s17+$0x6890]  }
0x41: {  	v11 =	vld [tilespmem:s17+$0x68A0]  }
0x42: {  	v12 =	vld [tilespmem:s17+$0x68B0]  }
0x43: {  	v13 =	vld [tilespmem:s17+$0x68C0]  }
0x44: {  	v14 =	vld [tilespmem:s17+$0x68D0]  }
0x45: {  	[tilespmem:s17+$0x9AF0] =	vst.add.f32.msk $0xffff, v0  }
0x46: {  	v0 =	vld [tilespmem:s17+$0x68E0]  }
0x47: {  	[tilespmem:s17+$0x9A00] =	vst.add.f32.msk $0xffff, v1  }
0x48: {  	[tilespmem:s17+$0x9A10] =	vst.add.f32.msk $0xffff, v2  }
0x49: {  	[tilespmem:s17+$0x9A20] =	vst.add.f32.msk $0xffff, v3  }
0x4a: {  	[tilespmem:s17+$0x9A30] =	vst.add.f32.msk $0xffff, v4  }
0x4b: {  	[tilespmem:s17+$0x9A40] =	vst.add.f32.msk $0xffff, v5  }
0x4c: {  	[tilespmem:s17+$0x9A50] =	vst.add.f32.msk $0xffff, v6  }
0x4d: {  	[tilespmem:s17+$0x9A60] =	vst.add.f32.msk $0xffff, v7  }
0x4e: {  	[tilespmem:s17+$0x9A70] =	vst.add.f32.msk $0xffff, v8  }
0x4f: {  	[tilespmem:s17+$0x9A80] =	vst.add.f32.msk $0xffff, v9  }
0x50: {  	[tilespmem:s17+$0x9A90] =	vst.add.f32.msk $0xffff, v10  }
0x51: {  	[tilespmem:s17+$0x9AA0] =	vst.add.f32.msk $0xffff, v11  }
0x52: {  	[tilespmem:s17+$0x9AB0] =	vst.add.f32.msk $0xffff, v12  }
0x53: {  	[tilespmem:s17+$0x9AC0] =	vst.add.f32.msk $0xffff, v13  }
0x54: {  	s18 =	simm.s32 $0x0;
	s4 =	simm.s32 $0x400;
	[tilespmem:s17+$0x9AD0] =	vst.add.f32.msk $0xffff, v14  }
.LBB2_3:
0x55: {  	s18 =	sadd.s32 $0x4, s18;
	[tilespmem:s17+$0x9AE0] =	vst.add.f32.msk $0xffff, v0;
	s17 =	sshra.s32 s4, $0x2  }
0x56: {  	v0 =	vld [tilespmem:s17+$0x68F0];
	p0 =	slt.u32 s18, $0xC4  }
0x57: {  	v1 =	vld [tilespmem:s17+$0x6800]  }
0x58: {  	v2 =	vld [tilespmem:s17+$0x6810]  }
0x59: {  	v3 =	vld [tilespmem:s17+$0x6820]  }
0x5a: {  	v4 =	vld [tilespmem:s17+$0x6830]  }
0x5b: {  	[tilespmem:s17+$0x9AF0] =	vst.add.f32.msk $0xffff, v0  }
0x5c: {  	v5 =	vld [tilespmem:s17+$0x6840]  }
0x5d: {  	v6 =	vld [tilespmem:s17+$0x6850]  }
0x5e: {  	v7 =	vld [tilespmem:s17+$0x6860]  }
0x5f: {  	v8 =	vld [tilespmem:s17+$0x6870]  }
0x60: {  	v9 =	vld [tilespmem:s17+$0x6880]  }
0x61: {  	v10 =	vld [tilespmem:s17+$0x6890]  }
0x62: {  	v11 =	vld [tilespmem:s17+$0x68A0]  }
0x63: {  	v12 =	vld [tilespmem:s17+$0x68B0]  }
0x64: {  	v13 =	vld [tilespmem:s17+$0x68C0]  }
0x65: {  	v14 =	vld [tilespmem:s17+$0x68D0]  }
0x66: {  	v0 =	vld [tilespmem:s17+$0x68E0]  }
0x67: {  	[tilespmem:s17+$0x9A00] =	vst.add.f32.msk $0xffff, v1  }
0x68: {  	[tilespmem:s17+$0x9A10] =	vst.add.f32.msk $0xffff, v2  }
0x69: {  	[tilespmem:s17+$0x9A20] =	vst.add.f32.msk $0xffff, v3  }
0x6a: {  	[tilespmem:s17+$0x9A30] =	vst.add.f32.msk $0xffff, v4  }
0x6b: {  	[tilespmem:s17+$0x9A40] =	vst.add.f32.msk $0xffff, v5  }
0x6c: {  	[tilespmem:s17+$0x9A50] =	vst.add.f32.msk $0xffff, v6  }
0x6d: {  	[tilespmem:s17+$0x9A60] =	vst.add.f32.msk $0xffff, v7  }
0x6e: {  	[tilespmem:s17+$0x9A70] =	vst.add.f32.msk $0xffff, v8  }
0x6f: {  	[tilespmem:s17+$0x9A80] =	vst.add.f32.msk $0xffff, v9  }
.Ltmp2:
0x70: {  	[tilespmem:s17+$0x9A90] =	vst.add.f32.msk $0xffff, v10;
	(pc) =	sbr.rel @p0 .LBB2_3-.Ltmp2, $4  }
0x71: {  	[tilespmem:s17+$0x9AA0] =	vst.add.f32.msk $0xffff, v11  }
0x72: {  	[tilespmem:s17+$0x9AB0] =	vst.add.f32.msk $0xffff, v12  }
0x73: {  	[tilespmem:s17+$0x9AC0] =	vst.add.f32.msk $0xffff, v13  }
0x74: {  	s4 =	sadd.s32 $0x400, s4;
	[tilespmem:s17+$0x9AD0] =	vst.add.f32.msk $0xffff, v14  }
0x75: {  	s18 =	sshll.u32 s15, $0x2  }
0x76: {  	s4 =	sadd.s32 s6, s18  }
0x77: {  	s4 =	smul.u32 $0xC80, s4;
	_ =	sdelay $0x1  }
0x78: {  	[tilespmem:s17+$0x9AE0] =	vst.add.f32.msk $0xffff, v0;
	p0 =	seq.s32 s15, $0x0;
	s4 =	sadd.s32 s5, s4  }
0x79: {  	[hbm4b:s4+s24] =	stream.strided.scatter [tilespmem:s12], [sflag:$0x5], $0x3200, s25, s24, $0x38;
	[tilespmem:$0x16200] =	vst v63  }
0x7a: {  	s17 =	sshllo.u32 s15, $0x2;
	s4 =	simm.s32 @!p0 $0x8  }
0x7b: {  	s7 =	smul.u32 $0x340, s17;
	_ =	swait.ge @!p0 [sflag:s4], $0x3200  }
0x7c: {  	[sflag:s4] =	ssyncset.done @!p0 $0x0  }
0x7d: {  	s21 =	sshra.s32 s7, $0x2;
	[sflag:s4] =	ssyncadd.s32 @!p0 $0xFFFFCE00  }
0x7e: {  	[tilespmem:s26], [sflag:$0x4] =	stream.indirect.gather [hbm4b:s3+s11], $0x40, s21, s11, $0xb8;
	[tilespmem:$0x16200] =	vst v63  }
0x7f: {  	s4 =	sadd.s32 $0x68, s21  }
0x80: {  	[tilespmem:s28], [sflag:$0x4] =	stream.indirect.gather [hbm4b:s3+s11], $0x40, s4, s11, $0xb8;
	[tilespmem:$0x16200] =	vst v63  }
0x81: {  	_ =	swait.ge [sflag:s29], $0x1900  }
0x82: {  	[sflag:s29] =	ssyncset.done $0x0  }
0x83: {  	[sflag:s29] =	ssyncadd.s32 $0xFFFFE700  }
0x84: {  	_ =	swait.ge [sflag:s29], $0x1900  }
0x85: {  	[sflag:s29] =	ssyncset.done $0x0  }
0x86: {  	s19 =	simm.s32 $0x0;
	[sflag:s29] =	ssyncadd.s32 $0xFFFFE700  }
0x87: {  	v0 =	vld [tilespmem:s19+$0x68F0]  }
0x88: {  	v1 =	vld [tilespmem:s19+$0x6800]  }
0x89: {  	v2 =	vld [tilespmem:s19+$0x6810]  }
0x8a: {  	v3 =	vld [tilespmem:s19+$0x6820]  }
0x8b: {  	v4 =	vld [tilespmem:s19+$0x6830]  }
0x8c: {  	v5 =	vld [tilespmem:s19+$0x6840]  }
0x8d: {  	v6 =	vld [tilespmem:s19+$0x6850]  }
0x8e: {  	v7 =	vld [tilespmem:s19+$0x6860]  }
0x8f: {  	v8 =	vld [tilespmem:s19+$0x6870]  }
0x90: {  	v9 =	vld [tilespmem:s19+$0x6880]  }
0x91: {  	v10 =	vld [tilespmem:s19+$0x6890]  }
0x92: {  	v11 =	vld [tilespmem:s19+$0x68A0]  }
0x93: {  	v12 =	vld [tilespmem:s19+$0x68B0]  }
0x94: {  	v13 =	vld [tilespmem:s19+$0x68C0]  }
0x95: {  	v14 =	vld [tilespmem:s19+$0x68D0]  }
0x96: {  	[tilespmem:s19+$0xCCF0] =	vst.add.f32.msk $0xffff, v0  }
0x97: {  	v0 =	vld [tilespmem:s19+$0x68E0]  }
0x98: {  	[tilespmem:s19+$0xCC00] =	vst.add.f32.msk $0xffff, v1  }
0x99: {  	[tilespmem:s19+$0xCC10] =	vst.add.f32.msk $0xffff, v2  }
0x9a: {  	[tilespmem:s19+$0xCC20] =	vst.add.f32.msk $0xffff, v3  }
0x9b: {  	[tilespmem:s19+$0xCC30] =	vst.add.f32.msk $0xffff, v4  }
0x9c: {  	[tilespmem:s19+$0xCC40] =	vst.add.f32.msk $0xffff, v5  }
0x9d: {  	[tilespmem:s19+$0xCC50] =	vst.add.f32.msk $0xffff, v6  }
0x9e: {  	[tilespmem:s19+$0xCC60] =	vst.add.f32.msk $0xffff, v7  }
0x9f: {  	[tilespmem:s19+$0xCC70] =	vst.add.f32.msk $0xffff, v8  }
0xa0: {  	[tilespmem:s19+$0xCC80] =	vst.add.f32.msk $0xffff, v9  }
0xa1: {  	[tilespmem:s19+$0xCC90] =	vst.add.f32.msk $0xffff, v10  }
0xa2: {  	[tilespmem:s19+$0xCCA0] =	vst.add.f32.msk $0xffff, v11  }
0xa3: {  	[tilespmem:s19+$0xCCB0] =	vst.add.f32.msk $0xffff, v12  }
0xa4: {  	[tilespmem:s19+$0xCCC0] =	vst.add.f32.msk $0xffff, v13  }
0xa5: {  	s21 =	simm.s32 $0x0;
	s4 =	simm.s32 $0x400;
	[tilespmem:s19+$0xCCD0] =	vst.add.f32.msk $0xffff, v14  }
.LBB2_5:
0xa6: {  	s21 =	sadd.s32 $0x4, s21;
	[tilespmem:s19+$0xCCE0] =	vst.add.f32.msk $0xffff, v0;
	s19 =	sshra.s32 s4, $0x2  }
0xa7: {  	v0 =	vld [tilespmem:s19+$0x68F0];
	p0 =	slt.u32 s21, $0xC4  }
0xa8: {  	v1 =	vld [tilespmem:s19+$0x6800]  }
0xa9: {  	v2 =	vld [tilespmem:s19+$0x6810]  }
0xaa: {  	v3 =	vld [tilespmem:s19+$0x6820]  }
0xab: {  	v4 =	vld [tilespmem:s19+$0x6830]  }
0xac: {  	[tilespmem:s19+$0xCCF0] =	vst.add.f32.msk $0xffff, v0  }
0xad: {  	v5 =	vld [tilespmem:s19+$0x6840]  }
0xae: {  	v6 =	vld [tilespmem:s19+$0x6850]  }
0xaf: {  	v7 =	vld [tilespmem:s19+$0x6860]  }
0xb0: {  	v8 =	vld [tilespmem:s19+$0x6870]  }
0xb1: {  	v9 =	vld [tilespmem:s19+$0x6880]  }
0xb2: {  	v10 =	vld [tilespmem:s19+$0x6890]  }
0xb3: {  	v11 =	vld [tilespmem:s19+$0x68A0]  }
0xb4: {  	v12 =	vld [tilespmem:s19+$0x68B0]  }
0xb5: {  	v13 =	vld [tilespmem:s19+$0x68C0]  }
0xb6: {  	v14 =	vld [tilespmem:s19+$0x68D0]  }
0xb7: {  	v0 =	vld [tilespmem:s19+$0x68E0]  }
0xb8: {  	[tilespmem:s19+$0xCC00] =	vst.add.f32.msk $0xffff, v1  }
0xb9: {  	[tilespmem:s19+$0xCC10] =	vst.add.f32.msk $0xffff, v2  }
0xba: {  	[tilespmem:s19+$0xCC20] =	vst.add.f32.msk $0xffff, v3  }
0xbb: {  	[tilespmem:s19+$0xCC30] =	vst.add.f32.msk $0xffff, v4  }
0xbc: {  	[tilespmem:s19+$0xCC40] =	vst.add.f32.msk $0xffff, v5  }
0xbd: {  	[tilespmem:s19+$0xCC50] =	vst.add.f32.msk $0xffff, v6  }
0xbe: {  	[tilespmem:s19+$0xCC60] =	vst.add.f32.msk $0xffff, v7  }
0xbf: {  	[tilespmem:s19+$0xCC70] =	vst.add.f32.msk $0xffff, v8  }
0xc0: {  	[tilespmem:s19+$0xCC80] =	vst.add.f32.msk $0xffff, v9  }
.Ltmp3:
0xc1: {  	[tilespmem:s19+$0xCC90] =	vst.add.f32.msk $0xffff, v10;
	(pc) =	sbr.rel @p0 .LBB2_5-.Ltmp3, $4  }
0xc2: {  	[tilespmem:s19+$0xCCA0] =	vst.add.f32.msk $0xffff, v11  }
0xc3: {  	[tilespmem:s19+$0xCCB0] =	vst.add.f32.msk $0xffff, v12  }
0xc4: {  	[tilespmem:s19+$0xCCC0] =	vst.add.f32.msk $0xffff, v13  }
0xc5: {  	s4 =	sadd.s32 $0x400, s4;
	[tilespmem:s19+$0xCCD0] =	vst.add.f32.msk $0xffff, v14  }
0xc6: {  	s4 =	sadd.s32 s18, s6  }
0xc7: {  	s4 =	smul.u32 $0xC80, s4;
	_ =	sdelay $0x1  }
0xc8: {  	s18 =	sadd.s32 s5, s4  }
0xc9: {  	[tilespmem:s19+$0xCCE0] =	vst.add.f32.msk $0xffff, v0;
	p0 =	seq.s32 s15, $0x1F;
	s4 =	sadd.s32 $0xC80, s18  }
0xca: {  	[hbm4b:s4+s24] =	stream.strided.scatter [tilespmem:s16], [sflag:$0x6], $0x3200, s25, s24, $0x38;
	[tilespmem:$0x16200] =	vst v63  }
0xcb: {  	s7 =	smul.u32 @!p0 $0xD00, s15;
	s4 =	simm.s32 @!p0 $0x5  }
0xcc: {  	_ =	swait.ge @!p0 [sflag:s4], $0x3200  }
0xcd: {  	s21 =	simm.s32 @!p0 $0x9A00;
	s19 =	sshra.s32 @!p0 s7, $0x2;
	[sflag:s4] =	ssyncset.done @!p0 $0x0  }
0xce: {  	s7 =	simm.s32 @!p0 $0x64;
	[sflag:s4] =	ssyncadd.s32 @!p0 $0xFFFFCE00;
	s4 =	sadd.s32 @!p0 $0x340, s19  }
0xcf: {  	[tilespmem:s21], [sflag:$0x1] =	stream.indirect.gather @!p0 [hbm4b:s3+s7], $0x40, s4, s7, $0xb8;
	[tilespmem:$0x16200] =	vst v63  }
0xd0: {  	s4 =	sadd.s32 @!p0 $0x3A8, s19;
	s21 =	simm.s32 @!p0 $0xB300  }
0xd1: {  	[tilespmem:s21], [sflag:$0x1] =	stream.indirect.gather @!p0 [hbm4b:s3+s7], $0x40, s4, s7, $0xb8;
	[tilespmem:$0x16200] =	vst v63  }
0xd2: {  	_ =	swait.ge [sflag:s30], $0x1900  }
0xd3: {  	[sflag:s30] =	ssyncset.done $0x0  }
0xd4: {  	[sflag:s30] =	ssyncadd.s32 $0xFFFFE700  }
0xd5: {  	_ =	swait.ge [sflag:s30], $0x1900  }
0xd6: {  	[sflag:s30] =	ssyncset.done $0x0  }
0xd7: {  	s21 =	simm.s32 $0x0;
	[sflag:s30] =	ssyncadd.s32 $0xFFFFE700  }
0xd8: {  	v0 =	vld [tilespmem:s21+$0x68F0]  }
0xd9: {  	v1 =	vld [tilespmem:s21+$0x6800]  }
0xda: {  	v2 =	vld [tilespmem:s21+$0x6810]  }
0xdb: {  	v3 =	vld [tilespmem:s21+$0x6820]  }
0xdc: {  	v4 =	vld [tilespmem:s21+$0x6830]  }
0xdd: {  	v5 =	vld [tilespmem:s21+$0x6840]  }
0xde: {  	v6 =	vld [tilespmem:s21+$0x6850]  }
0xdf: {  	v7 =	vld [tilespmem:s21+$0x6860]  }
0xe0: {  	v8 =	vld [tilespmem:s21+$0x6870]  }
0xe1: {  	v9 =	vld [tilespmem:s21+$0x6880]  }
0xe2: {  	v10 =	vld [tilespmem:s21+$0x6890]  }
0xe3: {  	v11 =	vld [tilespmem:s21+$0x68A0]  }
0xe4: {  	v12 =	vld [tilespmem:s21+$0x68B0]  }
0xe5: {  	v13 =	vld [tilespmem:s21+$0x68C0]  }
0xe6: {  	v14 =	vld [tilespmem:s21+$0x68D0]  }
0xe7: {  	[tilespmem:s21+$0xFEF0] =	vst.add.f32.msk $0xffff, v0  }
0xe8: {  	v0 =	vld [tilespmem:s21+$0x68E0]  }
0xe9: {  	[tilespmem:s21+$0xFE00] =	vst.add.f32.msk $0xffff, v1  }
0xea: {  	[tilespmem:s21+$0xFE10] =	vst.add.f32.msk $0xffff, v2  }
0xeb: {  	[tilespmem:s21+$0xFE20] =	vst.add.f32.msk $0xffff, v3  }
0xec: {  	[tilespmem:s21+$0xFE30] =	vst.add.f32.msk $0xffff, v4  }
0xed: {  	[tilespmem:s21+$0xFE40] =	vst.add.f32.msk $0xffff, v5  }
0xee: {  	[tilespmem:s21+$0xFE50] =	vst.add.f32.msk $0xffff, v6  }
0xef: {  	[tilespmem:s21+$0xFE60] =	vst.add.f32.msk $0xffff, v7  }
0xf0: {  	[tilespmem:s21+$0xFE70] =	vst.add.f32.msk $0xffff, v8  }
0xf1: {  	[tilespmem:s21+$0xFE80] =	vst.add.f32.msk $0xffff, v9  }
0xf2: {  	[tilespmem:s21+$0xFE90] =	vst.add.f32.msk $0xffff, v10  }
0xf3: {  	[tilespmem:s21+$0xFEA0] =	vst.add.f32.msk $0xffff, v11  }
0xf4: {  	[tilespmem:s21+$0xFEB0] =	vst.add.f32.msk $0xffff, v12  }
0xf5: {  	[tilespmem:s21+$0xFEC0] =	vst.add.f32.msk $0xffff, v13  }
0xf6: {  	s4 =	simm.s32 $0x0;
	s7 =	simm.s32 $0x400;
	[tilespmem:s21+$0xFED0] =	vst.add.f32.msk $0xffff, v14  }
.LBB2_7:
0xf7: {  	s4 =	sadd.s32 $0x4, s4;
	[tilespmem:s21+$0xFEE0] =	vst.add.f32.msk $0xffff, v0;
	s21 =	sshra.s32 s7, $0x2  }
0xf8: {  	v0 =	vld [tilespmem:s21+$0x68F0];
	p1 =	slt.u32 s4, $0xC4  }
0xf9: {  	v1 =	vld [tilespmem:s21+$0x6800]  }
0xfa: {  	v2 =	vld [tilespmem:s21+$0x6810]  }
0xfb: {  	v3 =	vld [tilespmem:s21+$0x6820]  }
0xfc: {  	v4 =	vld [tilespmem:s21+$0x6830]  }
0xfd: {  	[tilespmem:s21+$0xFEF0] =	vst.add.f32.msk $0xffff, v0  }
0xfe: {  	v5 =	vld [tilespmem:s21+$0x6840]  }
0xff: {  	v6 =	vld [tilespmem:s21+$0x6850]  }
0x100: {  	v7 =	vld [tilespmem:s21+$0x6860]  }
0x101: {  	v8 =	vld [tilespmem:s21+$0x6870]  }
0x102: {  	v9 =	vld [tilespmem:s21+$0x6880]  }
0x103: {  	v10 =	vld [tilespmem:s21+$0x6890]  }
0x104: {  	v11 =	vld [tilespmem:s21+$0x68A0]  }
0x105: {  	v12 =	vld [tilespmem:s21+$0x68B0]  }
0x106: {  	v13 =	vld [tilespmem:s21+$0x68C0]  }
0x107: {  	v14 =	vld [tilespmem:s21+$0x68D0]  }
0x108: {  	v0 =	vld [tilespmem:s21+$0x68E0]  }
0x109: {  	[tilespmem:s21+$0xFE00] =	vst.add.f32.msk $0xffff, v1  }
0x10a: {  	[tilespmem:s21+$0xFE10] =	vst.add.f32.msk $0xffff, v2  }
0x10b: {  	[tilespmem:s21+$0xFE20] =	vst.add.f32.msk $0xffff, v3  }
0x10c: {  	[tilespmem:s21+$0xFE30] =	vst.add.f32.msk $0xffff, v4  }
0x10d: {  	[tilespmem:s21+$0xFE40] =	vst.add.f32.msk $0xffff, v5  }
0x10e: {  	[tilespmem:s21+$0xFE50] =	vst.add.f32.msk $0xffff, v6  }
0x10f: {  	[tilespmem:s21+$0xFE60] =	vst.add.f32.msk $0xffff, v7  }
0x110: {  	[tilespmem:s21+$0xFE70] =	vst.add.f32.msk $0xffff, v8  }
0x111: {  	[tilespmem:s21+$0xFE80] =	vst.add.f32.msk $0xffff, v9  }
.Ltmp4:
0x112: {  	[tilespmem:s21+$0xFE90] =	vst.add.f32.msk $0xffff, v10;
	(pc) =	sbr.rel @p1 .LBB2_7-.Ltmp4, $4  }
0x113: {  	[tilespmem:s21+$0xFEA0] =	vst.add.f32.msk $0xffff, v11  }
0x114: {  	[tilespmem:s21+$0xFEB0] =	vst.add.f32.msk $0xffff, v12  }
0x115: {  	[tilespmem:s21+$0xFEC0] =	vst.add.f32.msk $0xffff, v13  }
0x116: {  	s7 =	sadd.s32 $0x400, s7;
	[tilespmem:s21+$0xFED0] =	vst.add.f32.msk $0xffff, v14  }
0x117: {  	[tilespmem:s21+$0xFEE0] =	vst.add.f32.msk $0xffff, v0;
	s4 =	sadd.s32 $0x1900, s18  }
0x118: {  	[hbm4b:s4+s24] =	stream.strided.scatter [tilespmem:s20], [sflag:$0x7], $0x3200, s25, s24, $0x38;
	[tilespmem:$0x16200] =	vst v63  }
0x119: {  	s4 =	simm.s32 @!p0 $0x6  }
0x11a: {  	_ =	swait.ge @!p0 [sflag:s4], $0x3200  }
0x11b: {  	s7 =	simm.s32 @!p0 $0x64;
	[sflag:s4] =	ssyncset.done @!p0 $0x0  }
0x11c: {  	s18 =	simm.s32 @!p0 $0xCC00;
	[sflag:s4] =	ssyncadd.s32 @!p0 $0xFFFFCE00;
	s4 =	sadd.s32 @!p0 $0x410, s19  }
0x11d: {  	[tilespmem:s18], [sflag:$0x2] =	stream.indirect.gather @!p0 [hbm4b:s3+s7], $0x40, s4, s7, $0xb8;
	[tilespmem:$0x16200] =	vst v63  }
0x11e: {  	s4 =	sadd.s32 @!p0 $0x478, s19;
	s18 =	simm.s32 @!p0 $0xE500  }
0x11f: {  	[tilespmem:s18], [sflag:$0x2] =	stream.indirect.gather @!p0 [hbm4b:s3+s7], $0x40, s4, s7, $0xb8;
	[tilespmem:$0x16200] =	vst v63  }
0x120: {  	_ =	swait.ge [sflag:s31], $0x1900  }
0x121: {  	[sflag:s31] =	ssyncset.done $0x0  }
0x122: {  	[sflag:s31] =	ssyncadd.s32 $0xFFFFE700  }
0x123: {  	_ =	swait.ge [sflag:s31], $0x1900  }
0x124: {  	[sflag:s31] =	ssyncset.done $0x0  }
0x125: {  	s18 =	simm.s32 $0x0;
	[sflag:s31] =	ssyncadd.s32 $0xFFFFE700  }
0x126: {  	v0 =	vld [tilespmem:s18+$0x68F0]  }
0x127: {  	v1 =	vld [tilespmem:s18+$0x6800]  }
0x128: {  	v2 =	vld [tilespmem:s18+$0x6810]  }
0x129: {  	v3 =	vld [tilespmem:s18+$0x6820]  }
0x12a: {  	v4 =	vld [tilespmem:s18+$0x6830]  }
0x12b: {  	v5 =	vld [tilespmem:s18+$0x6840]  }
0x12c: {  	v6 =	vld [tilespmem:s18+$0x6850]  }
0x12d: {  	v7 =	vld [tilespmem:s18+$0x6860]  }
0x12e: {  	v8 =	vld [tilespmem:s18+$0x6870]  }
0x12f: {  	v9 =	vld [tilespmem:s18+$0x6880]  }
0x130: {  	v10 =	vld [tilespmem:s18+$0x6890]  }
0x131: {  	v11 =	vld [tilespmem:s18+$0x68A0]  }
0x132: {  	v12 =	vld [tilespmem:s18+$0x68B0]  }
0x133: {  	v13 =	vld [tilespmem:s18+$0x68C0]  }
0x134: {  	v14 =	vld [tilespmem:s18+$0x68D0]  }
0x135: {  	[tilespmem:s18+$0x130F0] =	vst.add.f32.msk $0xffff, v0  }
0x136: {  	v0 =	vld [tilespmem:s18+$0x68E0]  }
0x137: {  	[tilespmem:s18+$0x13000] =	vst.add.f32.msk $0xffff, v1  }
0x138: {  	[tilespmem:s18+$0x13010] =	vst.add.f32.msk $0xffff, v2  }
0x139: {  	[tilespmem:s18+$0x13020] =	vst.add.f32.msk $0xffff, v3  }
0x13a: {  	[tilespmem:s18+$0x13030] =	vst.add.f32.msk $0xffff, v4  }
0x13b: {  	[tilespmem:s18+$0x13040] =	vst.add.f32.msk $0xffff, v5  }
0x13c: {  	[tilespmem:s18+$0x13050] =	vst.add.f32.msk $0xffff, v6  }
0x13d: {  	[tilespmem:s18+$0x13060] =	vst.add.f32.msk $0xffff, v7  }
0x13e: {  	[tilespmem:s18+$0x13070] =	vst.add.f32.msk $0xffff, v8  }
0x13f: {  	[tilespmem:s18+$0x13080] =	vst.add.f32.msk $0xffff, v9  }
0x140: {  	[tilespmem:s18+$0x13090] =	vst.add.f32.msk $0xffff, v10  }
0x141: {  	[tilespmem:s18+$0x130A0] =	vst.add.f32.msk $0xffff, v11  }
0x142: {  	[tilespmem:s18+$0x130B0] =	vst.add.f32.msk $0xffff, v12  }
0x143: {  	[tilespmem:s18+$0x130C0] =	vst.add.f32.msk $0xffff, v13  }
0x144: {  	s4 =	simm.s32 $0x0;
	s7 =	simm.s32 $0x400;
	[tilespmem:s18+$0x130D0] =	vst.add.f32.msk $0xffff, v14  }
.LBB2_9:
0x145: {  	s4 =	sadd.s32 $0x4, s4;
	[tilespmem:s18+$0x130E0] =	vst.add.f32.msk $0xffff, v0;
	s18 =	sshra.s32 s7, $0x2  }
0x146: {  	v0 =	vld [tilespmem:s18+$0x68F0];
	p1 =	slt.u32 s4, $0xC4  }
0x147: {  	v1 =	vld [tilespmem:s18+$0x6800]  }
0x148: {  	v2 =	vld [tilespmem:s18+$0x6810]  }
0x149: {  	v3 =	vld [tilespmem:s18+$0x6820]  }
0x14a: {  	v4 =	vld [tilespmem:s18+$0x6830]  }
0x14b: {  	[tilespmem:s18+$0x130F0] =	vst.add.f32.msk $0xffff, v0  }
0x14c: {  	v5 =	vld [tilespmem:s18+$0x6840]  }
0x14d: {  	v6 =	vld [tilespmem:s18+$0x6850]  }
0x14e: {  	v7 =	vld [tilespmem:s18+$0x6860]  }
0x14f: {  	v8 =	vld [tilespmem:s18+$0x6870]  }
0x150: {  	v9 =	vld [tilespmem:s18+$0x6880]  }
0x151: {  	v10 =	vld [tilespmem:s18+$0x6890]  }
0x152: {  	v11 =	vld [tilespmem:s18+$0x68A0]  }
0x153: {  	v12 =	vld [tilespmem:s18+$0x68B0]  }
0x154: {  	v13 =	vld [tilespmem:s18+$0x68C0]  }
0x155: {  	v14 =	vld [tilespmem:s18+$0x68D0]  }
0x156: {  	v0 =	vld [tilespmem:s18+$0x68E0]  }
0x157: {  	[tilespmem:s18+$0x13000] =	vst.add.f32.msk $0xffff, v1  }
0x158: {  	[tilespmem:s18+$0x13010] =	vst.add.f32.msk $0xffff, v2  }
0x159: {  	[tilespmem:s18+$0x13020] =	vst.add.f32.msk $0xffff, v3  }
0x15a: {  	[tilespmem:s18+$0x13030] =	vst.add.f32.msk $0xffff, v4  }
0x15b: {  	[tilespmem:s18+$0x13040] =	vst.add.f32.msk $0xffff, v5  }
0x15c: {  	[tilespmem:s18+$0x13050] =	vst.add.f32.msk $0xffff, v6  }
0x15d: {  	[tilespmem:s18+$0x13060] =	vst.add.f32.msk $0xffff, v7  }
0x15e: {  	[tilespmem:s18+$0x13070] =	vst.add.f32.msk $0xffff, v8  }
0x15f: {  	[tilespmem:s18+$0x13080] =	vst.add.f32.msk $0xffff, v9  }
.Ltmp5:
0x160: {  	[tilespmem:s18+$0x13090] =	vst.add.f32.msk $0xffff, v10;
	(pc) =	sbr.rel @p1 .LBB2_9-.Ltmp5, $4  }
0x161: {  	[tilespmem:s18+$0x130A0] =	vst.add.f32.msk $0xffff, v11  }
0x162: {  	[tilespmem:s18+$0x130B0] =	vst.add.f32.msk $0xffff, v12  }
0x163: {  	[tilespmem:s18+$0x130C0] =	vst.add.f32.msk $0xffff, v13  }
0x164: {  	s7 =	sadd.s32 $0x400, s7;
	[tilespmem:s18+$0x130D0] =	vst.add.f32.msk $0xffff, v14  }
.Ltmp6:
0x165: {  	s4 =	sadd.s32 s6, s17;
	(pc) =	sbr.rel @p0 .LBB2_12-.Ltmp6, $3  }
0x166: {  	s4 =	smul.u32 $0xC80, s4;
	_ =	sdelay $0x1  }
0x167: {  	[tilespmem:s18+$0x130E0] =	vst.add.f32.msk $0xffff, v0;
	s4 =	sadd.s32 s5, s4  }
0x168: {  	[hbm4b:s4+s24] =	stream.strided.scatter [tilespmem:s26], [sflag:$0x8], $0x3200, s25, s24, $0x38;
	[tilespmem:$0x16200] =	vst v63  }
0x169: {  	s4 =	smul.u32 $0xD00, s15  }
0x16a: {  	_ =	swait.ge [sflag:s9], $0x3200  }
.Ltmp7:
0x16b: {  	[sflag:s9] =	ssyncset.done $0x0;
	s4 =	sshra.s32 s4, $0x2;
	(pc) =	sbr.rel .LBB2_2-.Ltmp7, $4  }
0x16c: {  	[sflag:s9] =	ssyncadd.s32 $0xFFFFCE00;
	s7 =	sadd.s32 $0x4E0, s4  }
0x16d: {  	[tilespmem:s20], [sflag:$0x3] =	stream.indirect.gather [hbm4b:s3+s11], $0x40, s7, s11, $0xb8;
	[tilespmem:$0x16200] =	vst v63  }
0x16e: {  	s15 =	sadd.s32 $0x1, s15;
	s4 =	sadd.s32 $0x548, s4  }
0x16f: {  	[tilespmem:s22], [sflag:$0x3] =	stream.indirect.gather [hbm4b:s3+s11], $0x40, s4, s11, $0xb8;
	[tilespmem:$0x16200] =	vst v63  }
.LBB2_13:
0x170: {  	_ =	sfence.sel $0x180000  }
0x171: {  	[bflag:$0x0] =	sbarrier.arrive $0xFFFF  }
0x172: {  	_ =	strace $0x90000047  }
0x173: {  	s0 =	stileid.u32;
	[bflag:$0x2] =	sbarrier.arrive $0xFFFF  }
0x174: {  	p0 =	sne.s32 s0, $0x0;
	s0 =	rddreg [dreg:$0x1]  }
0x175: {  	s0 =	sadd.s32 @!p0 $0x100000, s0  }
0x176: {  	[sflag:s0] =	ssyncadd.tile.s32 @!p0 $0x1;
	_ =	shalt  }
.Lfunc_end2:
_tile_overlayer_lowered:
.L_overlay_start_2:
0x177: {  	(tag) =	ssettag $0x2  }
0x178: {  	s0 =	rddreg [dreg:$0x0];
	s2 =	stileid.u32  }
0x179: {  	s1 =	rddreg [dreg:$0x1];
	p0 =	sne.s32 s2, $0x0  }
0x17a: {  	s3 =	rddreg [dreg:$0x2];
	[bflag:$0x3] =	sbarrier.arrive $0xFFFF;
	s2 =	simm.s32 @!p0 $0x1C09  }
0x17b: {  	[timem:s3], [sflag:s2] =	dma.local @!p0 [hbm:s0], s1  }
0x17c: {  	s0 =	simm.s32 @!p0 $0x9  }
0x17d: {  	_ =	swait.ge @!p0 [sflag:s0], s1  }
0x17e: {  	s1 =	ssub.s32 @!p0 $0x0, s1;
	[sflag:s0] =	ssyncset.done @!p0 $0x0  }
0x17f: {  	[sflag:s0] =	ssyncadd.s32 @!p0 s1  }
0x180: {  	[bflag:$0x3] =	sbarrier.arrive $0xFFFF  }
0x181: {  	_ =	shalt  }

// kernel: sparse-core-data-format-call.cloned.1.call-start
scs
called_computation_lowered:
.L_overlay_start_0:
0x0: {  	s2 =	sld [smem:$0x3FD9]  }
0x1: {  	s3 =	sld [smem:$0x3FFE];
	_ =	sdelay $0x1  }
0x2: {  	s1 =	srdreg.scid  }
0x3: {  	s0 =	sand.u32 $0x1, s1  }
0x4: {  	s18 =	sshll.u32 s0, $0xA;
	s2 =	sadd.s32 s3, s2  }
0x5: {  	s2 =	sadd.s32 s2, s18  }
0x6: {  	[smem:$0x3FC5] =	sst s2  }
0x7: {  	_ = 	snop  }
0x8: {  	s2 =	sld [smem:$0x3FD0];
	(tm) =	ssettm $0x1  }
0x9: {  	s19 =	sld [smem:$0x3FFB];
	_ =	sdelay $0x3  }
0xa: {  	_ =	strace s19  }
0xb: {  	s3 =	sld [smem:$0x3FFC];
	_ =	sdelay $0x3  }
0xc: {  	_ =	strace s3  }
0xd: {  	s3 =	sld [smem:$0x3FFD];
	_ =	sdelay $0x3  }
0xe: {  	_ =	strace s3  }
0xf: {  	_ =	strace $0x8FFFFFFF  }
0x10: {  	s20 =	sld [smem:$0x3FDB];
	_ =	sdelay $0x1  }
0x11: {  	s4 =	simm.s32 $_scs_section_size  }
0x12: {  	s5 =	simm.s32 $_size__tile_overlayer_lowered;
	s6 =	simm.s32 $_tile_overlayer_lowered  }
0x13: {  	s23 =	simm.s32 $0x1BFF;
	s22 =	sshll.u32 s6, $0x1;
	s3 =	sadd.s32 s4, s20  }
0x14: {  	s7 =	simm.s32 $0x0;
	s21 =	sshll.u32 s5, $0x1;
	s5 =	sadd.s32 s22, s3  }
0x15: {  	[timem:s7], [sflag:s23] =	dma.local [hbm:s5], s21  }
0x16: {  	_ =	swait.ge [sflag:s23], s21  }
0x17: {  	s4 =	ssub.s32 $0x0, s21;
	[sflag:s23] =	ssyncset.done $0x0  }
0x18: {  	[sflag:s23] =	ssyncadd.s32 s4;
	_ =	sdelay $0x1  }
0x19: {  	s24 =	simm.s32 $0x1B8B  }
0x1a: {  	_ =	swait.ge [sflag:s24], $0x1  }
0x1b: {  	[sflag:s24] =	ssyncset.done $0x0  }
0x1c: {  	s26 =	simm.s32 $0x1B8E;
	s25 =	sld [smem:$0x3FFE];
	[sflag:s24] =	ssyncadd.s32 $0xFFFFFFFF  }
0x1d: {  	s27 =	simm.s32 $execute0_lowered;
	[smem:$0x3FD2] =	sst s26  }
0x1e: {  	s5 =	sshll.u32 s27, $0x1;
	_ =	strace $0x80000049;
	[dreg:$0x1] =	wrdreg $0xFFFFFFFF  }
0x1f: {  	s28 =	simm.s32 $_size_execute0_lowered;
	s3 =	sadd.s32 s3, s5;
	[dreg:$0x0] =	wrdreg $0x0  }
0x20: {  	s5 =	sshll.u32 s28, $0x1;
	[dreg:$0x2] =	wrdreg s3  }
0x21: {  	[dreg:$0x3] =	wrdreg s5  }
0x22: {  	[dreg:$0x4] =	wrdreg $0xC0  }
0x23: {  	_ =	task [dreg:s7], $0x5FFFF  }
0x24: {  	[dreg:$0x1] =	wrdreg $0xFFFFFFFF  }
0x25: {  	[dreg:$0x0] =	wrdreg $0x60  }
0x26: {  	[dreg:$0x2] =	wrdreg s25  }
0x27: {  	[dreg:$0x3] =	wrdreg s2  }
0x28: {  	[dreg:$0x4] =	wrdreg $0x9  }
0x29: {  	_ =	task.clear_ibuf [dreg:s7], $0x5FFFF;
	_ =	strace $0x90000049  }
0x2a: {  	s29 =	simm.s32 $0x9;
	_ =	strace $0x8000004B  }
0x2b: {  	_ =	swait.ge [sflag:s29], $0x1  }
0x2c: {  	[sflag:s29] =	ssyncadd.s32 $0xFFFFFFFF  }
0x2d: {  	_ =	strace $0x9000004B  }
0x2e: {  	_ =	sfence  }
0x2f: {  	s30 =	sld [smem:$0x0];
	_ =	sdelay $0x2  }
0x30: {  	s31 =	sshll.u32 s1, $0xD;
	s1 =	sshrl.u32 s1, $0x2  }
0x31: {  	s3 =	sand.u32 $0x4000, s31;
	s1 =	sadd.s32 s1, s30  }
0x32: {  	s0 =	sor.u32 s3, s0;
	s1 =	sshll.u32 s1, $0x11  }
0x33: {  	s0 =	sor.u32 s1, s0  }
0x34: {  	s0 =	sadd.s32 $0x8F2B, s0  }
0x35: {  	[sflag:s0] =	ssyncadd.remote.s32 $0x1  }
0x36: {  	_ =	sfence.sel $0xFFFF  }
0x37: {  	[dreg:$0x0] =	wrdreg $0xFFFFFFFF;
	(pc) =	sbr.abs _section_cstart, $3  }
0x38: {  	[dreg:$0x1] =	wrdreg $0xFFFFFFFF  }
0x39: {  	_ =	task.clear_ibuf [dreg:s7], $0x2FFFF;
	_ =	strace $0x9FFFFFFF  }
0x3a: {  	(tm) =	ssettm $0x7FFFFFFF  }
0x3b: {  	_ =	shalt  }
tec
execute0_lowered:
.L_overlay_start_1:
0x0: {  	(tag) =	ssettag $0x1  }
0x1: {  	s0 =	srdreg.scid  }
0x2: {  	s1 =	sshll.u32 s0, $0x4  }
0x3: {  	s0 =	stileid.u32;
	s1 =	sand.u32 $0x10, s1  }
0x4: {  	s1 =	sor.u32 s0, s1  }
0x5: {  	s6 =	rddreg [dreg:$0x0];
	s4 =	simm.s32 $0x1;
	s2 =	sshll.u32 s1, $0x7  }
0x6: {  	s7 =	simm.s32 $0x2;
	s12 =	simm.s32 $0x0;
	s1 =	ssub.s32 $0x1000, s2  }
0x7: {  	s8 =	simm.s32 $0x8000;
	s13 =	simm.s32 $0x0;
	s3 =	sand.u32 $0xF80, s1  }
0x8: {  	s9 =	simm.s32 $0x0;
	s5 =	sshrl.u32 s1, $0xC;
	p0 =	sne.s32 s3, $0x0  }
.Ltmp0:
0x9: {  	s1 =	rddreg [dreg:$0x2];
	s4 =	simm.s32 @!p0 $0x0;
	(pc) =	sbr.rel .LBB1_1-.Ltmp0, $4  }
0xa: {  	s11 =	simm.s32 $0x0;
	s3 =	rddreg [dreg:$0x1];
	s5 =	sadd.s32 s4, s5  }
0xb: {  	_ =	strace $0x8000004A;
	s4 =	simm.s32 $0x1;
	s5 =	smul.u32 $0xC8, s5  }
0xc: {  	s6 =	sadd.s32 $0xDE800, s6;
	s10 =	smov.u32 s2;
	[sflag:s4] =	ssyncpa.u1 $0x0  }
0xd: {  	p0 =	por $0x0, $0x0;
	[sflag:s7] =	ssyncpa.u1 $0x0;
	s7 =	sor.u32 $0x1, s5  }
.LBB1_4:
0xe: {  	s16 =	sshll.u32 s13, $0x3;
	s17 =	sand.u32 $0x78, s13  }
0xf: {  	s30 =	sand.u32 $0x7E00, s13;
	s12 =	sshll.u32 s12, $0xF;
	s16 =	sand.u32 $0xC00, s16  }
0x10: {  	[tilespmem:s15+$0x810 ss:$0x81] =	vst.msk $0xffff, v2;
	s31 =	sand.u32 $0x7, s13;
	s16 =	sor.u32 s17, s16;
	s17 =	sadd.s32 s3, s30  }
0x11: {  	[tilespmem:s15+$0x1020 ss:$0x81] =	vst.msk $0xffff, v0;
	s13 =	sshll.u32 s31, $0x12;
	s12 =	sadd.s32 s12, s17;
	s16 =	sshrl.u32 s16, $0x3  }
0x12: {  	[tilespmem:s15+$0x0 ss:$0x81] =	vst.msk $0xffff, v1;
	s13 =	sor.u32 $0x400, s13;
	s12 =	sadd.s32 s16, s12  }
0x13: {  	[hbm4b:s12+s13] =	stream.strided.scatter [tilespmem:s14], [sflag:$0x2], $0x2000, s8, s13, $0x20;
	[tilespmem:$0x8080] =	vst v63  }
.LBB1_5:
0x14: {  	s14 =	sadd.s32 $0x1, s9  }
0x15: {  	s12 =	sadd.s32 $0x1000, s10;
	s16 =	smov.u32 s10;
	p2 =	sgt.s32 s14, $0xC7  }
0x16: {  	s16 =	smov.u32 @p2 s12  }
0x17: {  	s14 =	simm.s32 @p2 $0x0;
	p2 =	sgt.s32 s16, $0xFFF  }
0x18: {  	s16 =	smov.u32 @p2 s2;
	p2 =	sne.s32 s11, s7  }
.Ltmp1:
0x19: {  	p1 =	slt.u32 s11, $0x2;
	(pc) =	sbr.rel @!p2 .LBB1_6-.Ltmp1, $4  }
0x1a: {  	s15 =	simm.s32 @!p1 $0x2  }
0x1b: {  	s13 =	smov.u32 s10;
	p0 =	por !p0, !p0;
	_ =	swait.ge @!p1 [sflag:s15], $0x2000  }
0x1c: {  	s12 =	smov.u32 s9;
	[sflag:s15] =	ssyncset.done @!p1 $0x0;
	s9 =	smov.u32 s14  }
0x1d: {  	s11 =	sadd.s32 $0x1, s11;
	[sflag:s15] =	ssyncadd.s32 @!p1 $0xFFFFE000;
	s10 =	smov.u32 s16  }
.LBB1_1:
0x1e: {  	p1 =	sge.u32 s11, s5  }
0x1f: {  	s14 =	sand.u32 @!p1 $0x1FFFFFF, s9  }
0x20: {  	s15 =	smulhi.u32 @!p1 $0x147AE15, s14;
	_ =	sdelay $0x1  }
0x21: {  	s15 =	smul.u32 @!p1 $0xC8, s15  }
0x22: {  	s16 =	sxor.u32 @!p1 $0xFFFFFFFF, s11;
	s17 =	smul.u32 @!p1 $0xC80, s10  }
0x23: {  	s31 =	sadd.s32 $0xFFFFFFFF, s11;
	s16 =	sshll.u32 @!p1 s16, $0xD;
	s14 =	ssub.s32 @!p1 s14, s15  }
0x24: {  	s15 =	sand.u32 @!p1 $0x2000, s16;
	s16 =	sadd.s32 @!p1 s6, s17;
	s14 =	sshll.u32 @!p1 s14, $0x4  }
0x25: {  	s17 =	simm.s32 @!p1 $0x6400;
	s14 =	sadd.s32 @!p1 s14, s16;
	s16 =	simm.s32 @!p1 $0x40  }
0x26: {  	[tilespmem:s15], [sflag:$0x1] =	stream.strided.gather @!p1 [hbm4b:s14+s16], $0x2000, s17, s16, $0x38;
	[tilespmem:$0x8080] =	vst v63  }
0x27: {  	p1 =	sge.u32 s31, s5  }
.Ltmp2:
0x28: {  	_ = 	snop;
	(pc) =	sbr.rel @p1 .LBB1_5-.Ltmp2, $1  }
0x29: {  	_ =	sdelay $0x3  }
0x2a: {  	s14 =	simm.s32 $0x1  }
0x2b: {  	_ =	swait.ge [sflag:s4], $0x2000;
	s14 =	simm.s32 @!p0 $0x0  }
0x2c: {  	[sflag:s4] =	ssyncset.done $0x0;
	s15 =	sshll.u32 s14, $0xD  }
0x2d: {  	[sflag:s4] =	ssyncadd.s32 $0xFFFFE000;
	s18 =	sor.u32 $0x20, s15  }
0x2e: {  	s14 =	smul.u32 $0x8100, s14;
	v3 =	vld [tilespmem:s18+$0x10]  }
0x2f: {  	s30 =	sand.u32 $0x1, s11;
	v2 =	vld [tilespmem:s18+$0xFFFFFFF0]  }
0x30: {  	s15 =	smul.u32 $0x8100, s30;
	s14 =	sshrl.u32 s14, $0x2;
	v0 =	vld [tilespmem:s18+$0x0]  }
0x31: {  	v1 =	vld [tilespmem:s18+$0xFFFFFFE0];
	s16 =	sor.u32 $0x4000, s14  }
0x32: {  	s31 =	sshrl.u32 s15, $0x2;
	s15 =	sadd.s32 $0x0, s16  }
0x33: {  	s17 =	simm.s32 $0x4;
	s18 =	sadd.s32 $0x40, s18;
	s14 =	sor.u32 $0x4000, s31;
	[tilespmem:s15+$0x1830 ss:$0x81] =	vst.msk $0xffff, v3  }
.LBB1_3:
0x34: {  	v3 =	vld [tilespmem:s18+$0x10];
	p1 =	sne.s32 s17, $0x1FC;
	[tilespmem:s15+$0x810 ss:$0x81] =	vst.msk $0xffff, v2;
	s19 =	smov.u32 s17;
	s17 =	sadd.s32 $0x4, s17  }
.Ltmp3:
0x35: {  	v2 =	vld [tilespmem:s18+$0xFFFFFFF0];
	[tilespmem:s15+$0x1020 ss:$0x81] =	vst.msk $0xffff, v0;
	(pc) =	sbr.rel @p1 .LBB1_3-.Ltmp3, $4  }
0x36: {  	v0 =	vld [tilespmem:s18+$0x0];
	[tilespmem:s15+$0x0 ss:$0x81] =	vst.msk $0xffff, v1  }
0x37: {  	s15 =	sshra.s32 s19, $0x2;
	v1 =	vld [tilespmem:s18+$0xFFFFFFE0]  }
0x38: {  	s15 =	sadd.s32 s15, s16  }
0x39: {  	s18 =	sadd.s32 $0x40, s18;
	[tilespmem:s15+$0x1830 ss:$0x81] =	vst.msk $0xffff, v3  }
.Ltmp4:
0x3a: {  	_ = 	snop;
	(pc) =	sbr.rel .LBB1_4-.Ltmp4, $1  }
0x3b: {  	_ =	sdelay $0x3  }
.LBB1_6:
0x3c: {  	_ =	sfence.sel $0x180000  }
0x3d: {  	s2 =	simm.s32 $0x1;
	[bflag:$0x0] =	sbarrier.arrive $0xFFFF  }
0x3e: {  	s31 =	simm.s32 $0x2;
	[sflag:s2] =	ssyncpa.u1 $0x1  }
0x3f: {  	[sflag:s31] =	ssyncpa.u1 $0x1  }
0x40: {  	p0 =	sne.s32 s0, $0x0;
	_ =	strace $0x9000004A  }
0x41: {  	s0 =	sadd.s32 @!p0 $0x100000, s1;
	[bflag:$0x2] =	sbarrier.arrive $0xFFFF  }
0x42: {  	[sflag:s0] =	ssyncadd.tile.s32 @!p0 $0x1;
	_ =	shalt  }
.Lfunc_end1:
_tile_overlayer_lowered:
.L_overlay_start_2:
0x43: {  	(tag) =	ssettag $0x2  }
0x44: {  	s0 =	rddreg [dreg:$0x0];
	s2 =	stileid.u32  }
0x45: {  	s1 =	rddreg [dreg:$0x1];
	p0 =	sne.s32 s2, $0x0  }
0x46: {  	s3 =	rddreg [dreg:$0x2];
	[bflag:$0x3] =	sbarrier.arrive $0xFFFF;
	s2 =	simm.s32 @!p0 $0x1C01  }
0x47: {  	[timem:s3], [sflag:s2] =	dma.local @!p0 [hbm:s0], s1  }
0x48: {  	s0 =	simm.s32 @!p0 $0x1  }
0x49: {  	_ =	swait.ge @!p0 [sflag:s0], s1  }
0x4a: {  	s1 =	ssub.s32 @!p0 $0x0, s1;
	[sflag:s0] =	ssyncset.done @!p0 $0x0  }
0x4b: {  	[sflag:s0] =	ssyncadd.s32 @!p0 s1  }
0x4c: {  	[bflag:$0x3] =	sbarrier.arrive $0xFFFF  }
0x4d: {  	_ =	shalt  }

</sc_bundles>
